<compile_context>
chip_gen: v7x
topology: tpu7x:2x2x1
jax: 0.10.2.dev20260603
libtpu: 0.0.44.dev20260713+nightly
codegen_flags: <defaults>
</compile_context>

<pallas_src>
import jax
import jax.numpy as jnp
from jax import lax
from jax.experimental import pallas as pl
from jax.experimental.pallas import tpu as pltpu, tpu_sc as plsc

_info = plsc.get_sparse_core_info()
_NC, _NS = _info.num_cores, _info.num_subcores
_NW = _NC * _NS

_Q = 4096
_K = 50
_D = 128
_CH = _Q // _NW
_NBUF = 6
_LA = 3


def _emb_body(q_hbm, table_hbm, out_hbm, idx_v, rows_v, gsem, wsem):
    wid = lax.axis_index("s") * _NC + lax.axis_index("c")
    rbase = wid * _CH
    pltpu.sync_copy(q_hbm.at[wid], idx_v)

    def issue_gather(l, b):
        pltpu.async_copy(table_hbm.at[idx_v.at[l]], rows_v.at[b], gsem.at[b])

    def wait_gather(b):
        pltpu.make_async_copy(
            table_hbm.at[idx_v.at[0]], rows_v.at[b], gsem.at[b]
        ).wait()

    def issue_write(l, b):
        pltpu.async_copy(
            rows_v.at[b], out_hbm.at[l, pl.ds(rbase, _CH)], wsem.at[b]
        )

    def wait_write(b):
        pltpu.make_async_copy(
            rows_v.at[b], out_hbm.at[0, pl.ds(rbase, _CH)], wsem.at[b]
        ).wait()

    def step(l, b, do_gather, do_wait_w):
        if do_gather:
            bn = (b + _LA) % _NBUF
            if do_wait_w:
                wait_write(bn)
            issue_gather(l + _LA, bn)
        wait_gather(b)
        issue_write(l, b)

    for s in range(_LA):
        issue_gather(s, s % _NBUF)
    s0 = _NBUF - _LA
    for s in range(s0):
        step(s, s % _NBUF, True, False)

    n_groups = (_K - _LA - s0) // _NBUF

    def group(g, carry):
        sbase = s0 + g * _NBUF
        for k in range(_NBUF):
            step(sbase + k, (s0 + k) % _NBUF, True, True)
        return carry

    lax.fori_loop(0, n_groups, group, 0)

    for s in range(s0 + n_groups * _NBUF, _K - _LA):
        step(s, s % _NBUF, True, True)
    for s in range(_K - _LA, _K):
        step(s, s % _NBUF, False, False)
    for b in range(_NBUF):
        wait_write(b)


@jax.jit
def kernel(q, table):
    qi = q.T.reshape(_K, _NW, _CH).transpose(1, 0, 2).astype(jnp.int32)
    out_t = pl.kernel(
        _emb_body,
        out_type=jax.ShapeDtypeStruct((_K, _Q, _D), jnp.float32),
        mesh=plsc.VectorSubcoreMesh(core_axis_name="c", subcore_axis_name="s"),
        scratch_types=[
            pltpu.VMEM((_K, _CH), jnp.int32),
            pltpu.VMEM((_NBUF, _CH, _D), jnp.float32),
            pltpu.SemaphoreType.DMA((_NBUF,)),
            pltpu.SemaphoreType.DMA((_NBUF,)),
        ],
    )(qi, table)
    return out_t.transpose(1, 0, 2)

# --- scband reference (transcript-rebuilt; emitter-appended) ---
"""Pipeline reference for scband-word-embedding-71347996721225 (READ-ONLY COPY).

The authoritative reference and input builder live on the scoring server;
editing this copy changes nothing except your own understanding.
"""

import jax, jax.numpy as jnp
import numpy as np

NUM_TOKEN = 100000
W_DIM = 128

def setup_inputs(seed: int = 0) -> dict:
    key = jax.random.key(seed)
    k1, k2 = jax.random.split(key)
    q = jax.random.randint(k1, (4096, 50), 0, NUM_TOKEN, dtype=jnp.int64)
    # Embedding table has num_token+1 rows; last row is padding_idx and is zero.
    table = jax.random.normal(k2, (NUM_TOKEN + 1, W_DIM), dtype=jnp.float32)
    table = table.at[NUM_TOKEN].set(0.0)
    return {"q": q, "table": table}

def reference(q, table):
    # Faithful translation of torch.nn.Embedding lookup: out = table[q]
    return jnp.take(table, q, axis=0)

if __name__ == "__main__":
    import jax
    _d = setup_inputs()
    print(jax.jit(kernel)(*tuple(_d.values())))

</pallas_src>

<mosaic_0001>
#map = affine_map<(d0, d1) -> (0, 0, 0)>
#map1 = affine_map<(d0, d1) -> (0, 0)>
module attributes {stable_mosaic.version = 14 : i64} {
  func.func @_emb_body(%arg0: i32, %arg1: i32, %arg2: memref<32x50x128xi32, #tpu.memory_space<hbm>>, %arg3: memref<100001x128xf32, #tpu.memory_space<hbm>>, %arg4: memref<50x4096x128xf32, #tpu.memory_space<hbm>>, %arg5: memref<50x128xi32, #tpu.memory_space<vmem>>, %arg6: memref<6x128x128xf32, #tpu.memory_space<vmem>>, %arg7: memref<6x!tpu.dma_semaphore, #tpu.memory_space<semaphore_mem>>, %arg8: memref<6x!tpu.dma_semaphore, #tpu.memory_space<semaphore_mem>>) attributes {dimension_semantics = [#tpu.dimension_semantics<core_parallel>, #tpu.dimension_semantics<subcore_parallel>], iteration_bounds = array<i64: 2, 16>, scalar_prefetch = 0 : i64, scratch_operands = 4 : i64, tpu.core_type = #tpu.core_type<sc_vector_subcore>, window_params = [{transform_indices = #map}, {transform_indices = #map1}, {transform_indices = #map}]} {
    %mul3A = arith.constant 2 : i32
    %mul3A_0 = arith.muli %arg1, %mul3A : i32
    %add3A = arith.addi %mul3A_0, %arg0 : i32
    %mul3A_1 = arith.constant 128 : i32
    %mul3A_2 = arith.muli %add3A, %mul3A_1 : i32
    "tpu.region"() ({
      %run_scoped3A = tpu.sem_alloc : memref<!tpu.dma_semaphore, #tpu.memory_space<semaphore_mem>>
      %dma_start3A_550 = arith.constant 0 : i32
      %dma_start3A_551 = arith.constant 0 : i32
      %dma_start3A_552 = tpu.memref_slice %arg2[%add3A, %dma_start3A_550, %dma_start3A_551] : memref<32x50x128xi32, #tpu.memory_space<hbm>> -> memref<1x50x128xi32, #tpu.memory_space<hbm>>
      %dma_start3A_553 = tpu.memref_squeeze %dma_start3A_552 : memref<1x50x128xi32, #tpu.memory_space<hbm>> -> memref<50x128xi32, #tpu.memory_space<hbm>>
      %dma_start3A_554 = arith.constant 0 : i32
      %dma_start3A_555 = arith.constant 0 : i32
      %dma_start3A_556 = tpu.memref_slice %arg2[%add3A, %dma_start3A_554, %dma_start3A_555] : memref<32x50x128xi32, #tpu.memory_space<hbm>> -> memref<1x50x128xi32, #tpu.memory_space<hbm>>
      %dma_start3A_557 = tpu.memref_squeeze %dma_start3A_556 : memref<1x50x128xi32, #tpu.memory_space<hbm>> -> memref<50x128xi32, #tpu.memory_space<hbm>>
      tpu.enqueue_dma source(%dma_start3A_557 : memref<50x128xi32, #tpu.memory_space<hbm>>) target(%arg5 : memref<50x128xi32, #tpu.memory_space<vmem>>) target_semaphore(%run_scoped3A : memref<!tpu.dma_semaphore, #tpu.memory_space<semaphore_mem>>)
      %dma_wait3A_558 = arith.constant 0 : i32
      %dma_wait3A_559 = arith.constant 0 : i32
      %dma_wait3A_560 = tpu.memref_slice %arg2[%add3A, %dma_wait3A_558, %dma_wait3A_559] : memref<32x50x128xi32, #tpu.memory_space<hbm>> -> memref<1x50x128xi32, #tpu.memory_space<hbm>>
      %dma_wait3A_561 = tpu.memref_squeeze %dma_wait3A_560 : memref<1x50x128xi32, #tpu.memory_space<hbm>> -> memref<50x128xi32, #tpu.memory_space<hbm>>
      %dma_wait3A_562 = arith.constant 0 : i32
      %dma_wait3A_563 = arith.constant 0 : i32
      %dma_wait3A_564 = tpu.memref_slice %arg2[%add3A, %dma_wait3A_562, %dma_wait3A_563] : memref<32x50x128xi32, #tpu.memory_space<hbm>> -> memref<1x50x128xi32, #tpu.memory_space<hbm>>
      %dma_wait3A_565 = tpu.memref_squeeze %dma_wait3A_564 : memref<1x50x128xi32, #tpu.memory_space<hbm>> -> memref<50x128xi32, #tpu.memory_space<hbm>>
      tpu.wait_dma2 semaphore(%run_scoped3A : memref<!tpu.dma_semaphore, #tpu.memory_space<semaphore_mem>>) src(%dma_wait3A_565 : memref<50x128xi32, #tpu.memory_space<hbm>>) dst(%arg5 : memref<50x128xi32, #tpu.memory_space<vmem>>)
      tpu.yield
    }) : () -> ()
    %dma_start3A = arith.constant 0 : i32
    %dma_start3A_3 = arith.constant 0 : i32
    %dma_start3A_4 = arith.constant 0 : i32
    %dma_start3A_5 = arith.constant 0 : i32
    %dma_start3A_6 = arith.constant 0 : i32
    %dma_start3A_7 = tpu.memref_slice %arg6[%dma_start3A_3, %dma_start3A_5, %dma_start3A_6] : memref<6x128x128xf32, #tpu.memory_space<vmem>> -> memref<1x128x128xf32, #tpu.memory_space<vmem>>
    %dma_start3A_8 = tpu.memref_squeeze %dma_start3A_7 : memref<1x128x128xf32, #tpu.memory_space<vmem>> -> memref<128x128xf32, #tpu.memory_space<vmem>>
    %dma_start3A_9 = arith.constant 0 : i32
    %dma_start3A_10 = tpu.memref_slice %arg5[%dma_start3A, %dma_start3A_9] : memref<50x128xi32, #tpu.memory_space<vmem>> -> memref<1x128xi32, #tpu.memory_space<vmem>>
    %dma_start3A_11 = tpu.memref_squeeze %dma_start3A_10 : memref<1x128xi32, #tpu.memory_space<vmem>> -> memref<128xi32, #tpu.memory_space<vmem>>
    %dma_start3A_12 = arith.constant 0 : i32
    %dma_start3A_13 = arith.constant 0 : i32
    %dma_start3A_14 = tpu.memref_slice %arg3[%dma_start3A_12, %dma_start3A_13] : memref<100001x128xf32, #tpu.memory_space<hbm>> -> memref<100001x128xf32, #tpu.memory_space<hbm>>
    %dma_start3A_15 = tpu.memref_slice %arg7[%dma_start3A_4] : memref<6x!tpu.dma_semaphore, #tpu.memory_space<semaphore_mem>> -> memref<1x!tpu.dma_semaphore, #tpu.memory_space<semaphore_mem>>
    %dma_start3A_16 = tpu.memref_squeeze %dma_start3A_15 : memref<1x!tpu.dma_semaphore, #tpu.memory_space<semaphore_mem>> -> memref<!tpu.dma_semaphore, #tpu.memory_space<semaphore_mem>>
    tpu.enqueue_indirect_dma source(%dma_start3A_14 : memref<100001x128xf32, #tpu.memory_space<hbm>>) target(%dma_start3A_8 : memref<128x128xf32, #tpu.memory_space<vmem>>) offsets(%dma_start3A_11 : memref<128xi32, #tpu.memory_space<vmem>>) semaphore(%dma_start3A_16 : memref<!tpu.dma_semaphore, #tpu.memory_space<semaphore_mem>>)
    %dma_start3A_17 = arith.constant 1 : i32
    %dma_start3A_18 = arith.constant 1 : i32
    %dma_start3A_19 = arith.constant 1 : i32
    %dma_start3A_20 = arith.constant 0 : i32
    %dma_start3A_21 = arith.constant 0 : i32
    %dma_start3A_22 = tpu.memref_slice %arg6[%dma_start3A_18, %dma_start3A_20, %dma_start3A_21] : memref<6x128x128xf32, #tpu.memory_space<vmem>> -> memref<1x128x128xf32, #tpu.memory_space<vmem>>
    %dma_start3A_23 = tpu.memref_squeeze %dma_start3A_22 : memref<1x128x128xf32, #tpu.memory_space<vmem>> -> memref<128x128xf32, #tpu.memory_space<vmem>>
    %dma_start3A_24 = arith.constant 0 : i32
    %dma_start3A_25 = tpu.memref_slice %arg5[%dma_start3A_17, %dma_start3A_24] : memref<50x128xi32, #tpu.memory_space<vmem>> -> memref<1x128xi32, #tpu.memory_space<vmem>>
    %dma_start3A_26 = tpu.memref_squeeze %dma_start3A_25 : memref<1x128xi32, #tpu.memory_space<vmem>> -> memref<128xi32, #tpu.memory_space<vmem>>
    %dma_start3A_27 = arith.constant 0 : i32
    %dma_start3A_28 = arith.constant 0 : i32
    %dma_start3A_29 = tpu.memref_slice %arg3[%dma_start3A_27, %dma_start3A_28] : memref<100001x128xf32, #tpu.memory_space<hbm>> -> memref<100001x128xf32, #tpu.memory_space<hbm>>
    %dma_start3A_30 = tpu.memref_slice %arg7[%dma_start3A_19] : memref<6x!tpu.dma_semaphore, #tpu.memory_space<semaphore_mem>> -> memref<1x!tpu.dma_semaphore, #tpu.memory_space<semaphore_mem>>
    %dma_start3A_31 = tpu.memref_squeeze %dma_start3A_30 : memref<1x!tpu.dma_semaphore, #tpu.memory_space<semaphore_mem>> -> memref<!tpu.dma_semaphore, #tpu.memory_space<semaphore_mem>>
    tpu.enqueue_indirect_dma source(%dma_start3A_29 : memref<100001x128xf32, #tpu.memory_space<hbm>>) target(%dma_start3A_23 : memref<128x128xf32, #tpu.memory_space<vmem>>) offsets(%dma_start3A_26 : memref<128xi32, #tpu.memory_space<vmem>>) semaphore(%dma_start3A_31 : memref<!tpu.dma_semaphore, #tpu.memory_space<semaphore_mem>>)
    %dma_start3A_32 = arith.constant 2 : i32
    %dma_start3A_33 = arith.constant 2 : i32
    %dma_start3A_34 = arith.constant 2 : i32
    %dma_start3A_35 = arith.constant 0 : i32
    %dma_start3A_36 = arith.constant 0 : i32
    %dma_start3A_37 = tpu.memref_slice %arg6[%dma_start3A_33, %dma_start3A_35, %dma_start3A_36] : memref<6x128x128xf32, #tpu.memory_space<vmem>> -> memref<1x128x128xf32, #tpu.memory_space<vmem>>
    %dma_start3A_38 = tpu.memref_squeeze %dma_start3A_37 : memref<1x128x128xf32, #tpu.memory_space<vmem>> -> memref<128x128xf32, #tpu.memory_space<vmem>>
    %dma_start3A_39 = arith.constant 0 : i32
    %dma_start3A_40 = tpu.memref_slice %arg5[%dma_start3A_32, %dma_start3A_39] : memref<50x128xi32, #tpu.memory_space<vmem>> -> memref<1x128xi32, #tpu.memory_space<vmem>>
    %dma_start3A_41 = tpu.memref_squeeze %dma_start3A_40 : memref<1x128xi32, #tpu.memory_space<vmem>> -> memref<128xi32, #tpu.memory_space<vmem>>
    %dma_start3A_42 = arith.constant 0 : i32
    %dma_start3A_43 = arith.constant 0 : i32
    %dma_start3A_44 = tpu.memref_slice %arg3[%dma_start3A_42, %dma_start3A_43] : memref<100001x128xf32, #tpu.memory_space<hbm>> -> memref<100001x128xf32, #tpu.memory_space<hbm>>
    %dma_start3A_45 = tpu.memref_slice %arg7[%dma_start3A_34] : memref<6x!tpu.dma_semaphore, #tpu.memory_space<semaphore_mem>> -> memref<1x!tpu.dma_semaphore, #tpu.memory_space<semaphore_mem>>
    %dma_start3A_46 = tpu.memref_squeeze %dma_start3A_45 : memref<1x!tpu.dma_semaphore, #tpu.memory_space<semaphore_mem>> -> memref<!tpu.dma_semaphore, #tpu.memory_space<semaphore_mem>>
    tpu.enqueue_indirect_dma source(%dma_start3A_44 : memref<100001x128xf32, #tpu.memory_space<hbm>>) target(%dma_start3A_38 : memref<128x128xf32, #tpu.memory_space<vmem>>) offsets(%dma_start3A_41 : memref<128xi32, #tpu.memory_space<vmem>>) semaphore(%dma_start3A_46 : memref<!tpu.dma_semaphore, #tpu.memory_space<semaphore_mem>>)
    %dma_start3A_47 = arith.constant 3 : i32
    %dma_start3A_48 = arith.constant 3 : i32
    %dma_start3A_49 = arith.constant 3 : i32
    %dma_start3A_50 = arith.constant 0 : i32
    %dma_start3A_51 = arith.constant 0 : i32
    %dma_start3A_52 = tpu.memref_slice %arg6[%dma_start3A_48, %dma_start3A_50, %dma_start3A_51] : memref<6x128x128xf32, #tpu.memory_space<vmem>> -> memref<1x128x128xf32, #tpu.memory_space<vmem>>
    %dma_start3A_53 = tpu.memref_squeeze %dma_start3A_52 : memref<1x128x128xf32, #tpu.memory_space<vmem>> -> memref<128x128xf32, #tpu.memory_space<vmem>>
    %dma_start3A_54 = arith.constant 0 : i32
    %dma_start3A_55 = tpu.memref_slice %arg5[%dma_start3A_47, %dma_start3A_54] : memref<50x128xi32, #tpu.memory_space<vmem>> -> memref<1x128xi32, #tpu.memory_space<vmem>>
    %dma_start3A_56 = tpu.memref_squeeze %dma_start3A_55 : memref<1x128xi32, #tpu.memory_space<vmem>> -> memref<128xi32, #tpu.memory_space<vmem>>
    %dma_start3A_57 = arith.constant 0 : i32
    %dma_start3A_58 = arith.constant 0 : i32
    %dma_start3A_59 = tpu.memref_slice %arg3[%dma_start3A_57, %dma_start3A_58] : memref<100001x128xf32, #tpu.memory_space<hbm>> -> memref<100001x128xf32, #tpu.memory_space<hbm>>
    %dma_start3A_60 = tpu.memref_slice %arg7[%dma_start3A_49] : memref<6x!tpu.dma_semaphore, #tpu.memory_space<semaphore_mem>> -> memref<1x!tpu.dma_semaphore, #tpu.memory_space<semaphore_mem>>
    %dma_start3A_61 = tpu.memref_squeeze %dma_start3A_60 : memref<1x!tpu.dma_semaphore, #tpu.memory_space<semaphore_mem>> -> memref<!tpu.dma_semaphore, #tpu.memory_space<semaphore_mem>>
    tpu.enqueue_indirect_dma source(%dma_start3A_59 : memref<100001x128xf32, #tpu.memory_space<hbm>>) target(%dma_start3A_53 : memref<128x128xf32, #tpu.memory_space<vmem>>) offsets(%dma_start3A_56 : memref<128xi32, #tpu.memory_space<vmem>>) semaphore(%dma_start3A_61 : memref<!tpu.dma_semaphore, #tpu.memory_space<semaphore_mem>>)
    %dma_wait3A = arith.constant 0 : i32
    %dma_wait3A_62 = arith.constant 0 : i32
    %dma_wait3A_63 = arith.constant 0 : i32
    %dma_wait3A_64 = arith.constant 0 : i32
    %dma_wait3A_65 = arith.constant 0 : i32
    %dma_wait3A_66 = tpu.memref_slice %arg6[%dma_wait3A_62, %dma_wait3A_64, %dma_wait3A_65] : memref<6x128x128xf32, #tpu.memory_space<vmem>> -> memref<1x128x128xf32, #tpu.memory_space<vmem>>
    %dma_wait3A_67 = tpu.memref_squeeze %dma_wait3A_66 : memref<1x128x128xf32, #tpu.memory_space<vmem>> -> memref<128x128xf32, #tpu.memory_space<vmem>>
    %dma_wait3A_68 = arith.constant 0 : i32
    %dma_wait3A_69 = tpu.memref_slice %arg5[%dma_wait3A, %dma_wait3A_68] : memref<50x128xi32, #tpu.memory_space<vmem>> -> memref<1x128xi32, #tpu.memory_space<vmem>>
    %dma_wait3A_70 = tpu.memref_squeeze %dma_wait3A_69 : memref<1x128xi32, #tpu.memory_space<vmem>> -> memref<128xi32, #tpu.memory_space<vmem>>
    %dma_wait3A_71 = arith.constant 0 : i32
    %dma_wait3A_72 = arith.constant 0 : i32
    %dma_wait3A_73 = tpu.memref_slice %arg3[%dma_wait3A_71, %dma_wait3A_72] : memref<100001x128xf32, #tpu.memory_space<hbm>> -> memref<100001x128xf32, #tpu.memory_space<hbm>>
    %dma_wait3A_74 = tpu.memref_slice %arg7[%dma_wait3A_63] : memref<6x!tpu.dma_semaphore, #tpu.memory_space<semaphore_mem>> -> memref<1x!tpu.dma_semaphore, #tpu.memory_space<semaphore_mem>>
    %dma_wait3A_75 = tpu.memref_squeeze %dma_wait3A_74 : memref<1x!tpu.dma_semaphore, #tpu.memory_space<semaphore_mem>> -> memref<!tpu.dma_semaphore, #tpu.memory_space<semaphore_mem>>
    tpu.wait_indirect_dma semaphore(%dma_wait3A_75 : memref<!tpu.dma_semaphore, #tpu.memory_space<semaphore_mem>>) src(%dma_wait3A_73 : memref<100001x128xf32, #tpu.memory_space<hbm>>) dst(%dma_wait3A_67 : memref<128x128xf32, #tpu.memory_space<vmem>>)
    %dma_start3A_76 = arith.constant 0 : i32
    %dma_start3A_77 = arith.constant 0 : i32
    %dma_start3A_78 = arith.constant 0 : i32
    %dma_start3A_79 = arith.constant 0 : i32
    %dma_start3A_80 = arith.constant 0 : i32
    %dma_start3A_81 = tpu.memref_slice %arg6[%dma_start3A_76, %dma_start3A_79, %dma_start3A_80] : memref<6x128x128xf32, #tpu.memory_space<vmem>> -> memref<1x128x128xf32, #tpu.memory_space<vmem>>
    %dma_start3A_82 = tpu.memref_squeeze %dma_start3A_81 : memref<1x128x128xf32, #tpu.memory_space<vmem>> -> memref<128x128xf32, #tpu.memory_space<vmem>>
    %dma_start3A_83 = arith.constant 0 : i32
    %dma_start3A_84 = tpu.memref_slice %arg4[%dma_start3A_77, %mul3A_2, %dma_start3A_83] : memref<50x4096x128xf32, #tpu.memory_space<hbm>> -> memref<1x128x128xf32, #tpu.memory_space<hbm>>
    %dma_start3A_85 = tpu.memref_squeeze %dma_start3A_84 : memref<1x128x128xf32, #tpu.memory_space<hbm>> -> memref<128x128xf32, #tpu.memory_space<hbm>>
    %dma_start3A_86 = tpu.memref_slice %arg8[%dma_start3A_78] : memref<6x!tpu.dma_semaphore, #tpu.memory_space<semaphore_mem>> -> memref<1x!tpu.dma_semaphore, #tpu.memory_space<semaphore_mem>>
    %dma_start3A_87 = tpu.memref_squeeze %dma_start3A_86 : memref<1x!tpu.dma_semaphore, #tpu.memory_space<semaphore_mem>> -> memref<!tpu.dma_semaphore, #tpu.memory_space<semaphore_mem>>
    %dma_start3A_88 = arith.constant 0 : i32
    %dma_start3A_89 = tpu.memref_slice %arg4[%dma_start3A_77, %mul3A_2, %dma_start3A_88] : memref<50x4096x128xf32, #tpu.memory_space<hbm>> -> memref<1x128x128xf32, #tpu.memory_space<hbm>>
    %dma_start3A_90 = tpu.memref_squeeze %dma_start3A_89 : memref<1x128x128xf32, #tpu.memory_space<hbm>> -> memref<128x128xf32, #tpu.memory_space<hbm>>
    %dma_start3A_91 = arith.constant 0 : i32
    %dma_start3A_92 = arith.constant 0 : i32
    %dma_start3A_93 = tpu.memref_slice %arg6[%dma_start3A_76, %dma_start3A_91, %dma_start3A_92] : memref<6x128x128xf32, #tpu.memory_space<vmem>> -> memref<1x128x128xf32, #tpu.memory_space<vmem>>
    %dma_start3A_94 = tpu.memref_squeeze %dma_start3A_93 : memref<1x128x128xf32, #tpu.memory_space<vmem>> -> memref<128x128xf32, #tpu.memory_space<vmem>>
    tpu.enqueue_dma source(%dma_start3A_94 : memref<128x128xf32, #tpu.memory_space<vmem>>) target(%dma_start3A_90 : memref<128x128xf32, #tpu.memory_space<hbm>>) target_semaphore(%dma_start3A_87 : memref<!tpu.dma_semaphore, #tpu.memory_space<semaphore_mem>>)
    %dma_start3A_95 = arith.constant 4 : i32
    %dma_start3A_96 = arith.constant 4 : i32
    %dma_start3A_97 = arith.constant 4 : i32
    %dma_start3A_98 = arith.constant 0 : i32
    %dma_start3A_99 = arith.constant 0 : i32
    %dma_start3A_100 = tpu.memref_slice %arg6[%dma_start3A_96, %dma_start3A_98, %dma_start3A_99] : memref<6x128x128xf32, #tpu.memory_space<vmem>> -> memref<1x128x128xf32, #tpu.memory_space<vmem>>
    %dma_start3A_101 = tpu.memref_squeeze %dma_start3A_100 : memref<1x128x128xf32, #tpu.memory_space<vmem>> -> memref<128x128xf32, #tpu.memory_space<vmem>>
    %dma_start3A_102 = arith.constant 0 : i32
    %dma_start3A_103 = tpu.memref_slice %arg5[%dma_start3A_95, %dma_start3A_102] : memref<50x128xi32, #tpu.memory_space<vmem>> -> memref<1x128xi32, #tpu.memory_space<vmem>>
    %dma_start3A_104 = tpu.memref_squeeze %dma_start3A_103 : memref<1x128xi32, #tpu.memory_space<vmem>> -> memref<128xi32, #tpu.memory_space<vmem>>
    %dma_start3A_105 = arith.constant 0 : i32
    %dma_start3A_106 = arith.constant 0 : i32
    %dma_start3A_107 = tpu.memref_slice %arg3[%dma_start3A_105, %dma_start3A_106] : memref<100001x128xf32, #tpu.memory_space<hbm>> -> memref<100001x128xf32, #tpu.memory_space<hbm>>
    %dma_start3A_108 = tpu.memref_slice %arg7[%dma_start3A_97] : memref<6x!tpu.dma_semaphore, #tpu.memory_space<semaphore_mem>> -> memref<1x!tpu.dma_semaphore, #tpu.memory_space<semaphore_mem>>
    %dma_start3A_109 = tpu.memref_squeeze %dma_start3A_108 : memref<1x!tpu.dma_semaphore, #tpu.memory_space<semaphore_mem>> -> memref<!tpu.dma_semaphore, #tpu.memory_space<semaphore_mem>>
    tpu.enqueue_indirect_dma source(%dma_start3A_107 : memref<100001x128xf32, #tpu.memory_space<hbm>>) target(%dma_start3A_101 : memref<128x128xf32, #tpu.memory_space<vmem>>) offsets(%dma_start3A_104 : memref<128xi32, #tpu.memory_space<vmem>>) semaphore(%dma_start3A_109 : memref<!tpu.dma_semaphore, #tpu.memory_space<semaphore_mem>>)
    %dma_wait3A_110 = arith.constant 0 : i32
    %dma_wait3A_111 = arith.constant 1 : i32
    %dma_wait3A_112 = arith.constant 1 : i32
    %dma_wait3A_113 = arith.constant 0 : i32
    %dma_wait3A_114 = arith.constant 0 : i32
    %dma_wait3A_115 = tpu.memref_slice %arg6[%dma_wait3A_111, %dma_wait3A_113, %dma_wait3A_114] : memref<6x128x128xf32, #tpu.memory_space<vmem>> -> memref<1x128x128xf32, #tpu.memory_space<vmem>>
    %dma_wait3A_116 = tpu.memref_squeeze %dma_wait3A_115 : memref<1x128x128xf32, #tpu.memory_space<vmem>> -> memref<128x128xf32, #tpu.memory_space<vmem>>
    %dma_wait3A_117 = arith.constant 0 : i32
    %dma_wait3A_118 = tpu.memref_slice %arg5[%dma_wait3A_110, %dma_wait3A_117] : memref<50x128xi32, #tpu.memory_space<vmem>> -> memref<1x128xi32, #tpu.memory_space<vmem>>
    %dma_wait3A_119 = tpu.memref_squeeze %dma_wait3A_118 : memref<1x128xi32, #tpu.memory_space<vmem>> -> memref<128xi32, #tpu.memory_space<vmem>>
    %dma_wait3A_120 = arith.constant 0 : i32
    %dma_wait3A_121 = arith.constant 0 : i32
    %dma_wait3A_122 = tpu.memref_slice %arg3[%dma_wait3A_120, %dma_wait3A_121] : memref<100001x128xf32, #tpu.memory_space<hbm>> -> memref<100001x128xf32, #tpu.memory_space<hbm>>
    %dma_wait3A_123 = tpu.memref_slice %arg7[%dma_wait3A_112] : memref<6x!tpu.dma_semaphore, #tpu.memory_space<semaphore_mem>> -> memref<1x!tpu.dma_semaphore, #tpu.memory_space<semaphore_mem>>
    %dma_wait3A_124 = tpu.memref_squeeze %dma_wait3A_123 : memref<1x!tpu.dma_semaphore, #tpu.memory_space<semaphore_mem>> -> memref<!tpu.dma_semaphore, #tpu.memory_space<semaphore_mem>>
    tpu.wait_indirect_dma semaphore(%dma_wait3A_124 : memref<!tpu.dma_semaphore, #tpu.memory_space<semaphore_mem>>) src(%dma_wait3A_122 : memref<100001x128xf32, #tpu.memory_space<hbm>>) dst(%dma_wait3A_116 : memref<128x128xf32, #tpu.memory_space<vmem>>)
    %dma_start3A_125 = arith.constant 1 : i32
    %dma_start3A_126 = arith.constant 1 : i32
    %dma_start3A_127 = arith.constant 1 : i32
    %dma_start3A_128 = arith.constant 0 : i32
    %dma_start3A_129 = arith.constant 0 : i32
    %dma_start3A_130 = tpu.memref_slice %arg6[%dma_start3A_125, %dma_start3A_128, %dma_start3A_129] : memref<6x128x128xf32, #tpu.memory_space<vmem>> -> memref<1x128x128xf32, #tpu.memory_space<vmem>>
    %dma_start3A_131 = tpu.memref_squeeze %dma_start3A_130 : memref<1x128x128xf32, #tpu.memory_space<vmem>> -> memref<128x128xf32, #tpu.memory_space<vmem>>
    %dma_start3A_132 = arith.constant 0 : i32
    %dma_start3A_133 = tpu.memref_slice %arg4[%dma_start3A_126, %mul3A_2, %dma_start3A_132] : memref<50x4096x128xf32, #tpu.memory_space<hbm>> -> memref<1x128x128xf32, #tpu.memory_space<hbm>>
    %dma_start3A_134 = tpu.memref_squeeze %dma_start3A_133 : memref<1x128x128xf32, #tpu.memory_space<hbm>> -> memref<128x128xf32, #tpu.memory_space<hbm>>
    %dma_start3A_135 = tpu.memref_slice %arg8[%dma_start3A_127] : memref<6x!tpu.dma_semaphore, #tpu.memory_space<semaphore_mem>> -> memref<1x!tpu.dma_semaphore, #tpu.memory_space<semaphore_mem>>
    %dma_start3A_136 = tpu.memref_squeeze %dma_start3A_135 : memref<1x!tpu.dma_semaphore, #tpu.memory_space<semaphore_mem>> -> memref<!tpu.dma_semaphore, #tpu.memory_space<semaphore_mem>>
    %dma_start3A_137 = arith.constant 0 : i32
    %dma_start3A_138 = tpu.memref_slice %arg4[%dma_start3A_126, %mul3A_2, %dma_start3A_137] : memref<50x4096x128xf32, #tpu.memory_space<hbm>> -> memref<1x128x128xf32, #tpu.memory_space<hbm>>
    %dma_start3A_139 = tpu.memref_squeeze %dma_start3A_138 : memref<1x128x128xf32, #tpu.memory_space<hbm>> -> memref<128x128xf32, #tpu.memory_space<hbm>>
    %dma_start3A_140 = arith.constant 0 : i32
    %dma_start3A_141 = arith.constant 0 : i32
    %dma_start3A_142 = tpu.memref_slice %arg6[%dma_start3A_125, %dma_start3A_140, %dma_start3A_141] : memref<6x128x128xf32, #tpu.memory_space<vmem>> -> memref<1x128x128xf32, #tpu.memory_space<vmem>>
    %dma_start3A_143 = tpu.memref_squeeze %dma_start3A_142 : memref<1x128x128xf32, #tpu.memory_space<vmem>> -> memref<128x128xf32, #tpu.memory_space<vmem>>
    tpu.enqueue_dma source(%dma_start3A_143 : memref<128x128xf32, #tpu.memory_space<vmem>>) target(%dma_start3A_139 : memref<128x128xf32, #tpu.memory_space<hbm>>) target_semaphore(%dma_start3A_136 : memref<!tpu.dma_semaphore, #tpu.memory_space<semaphore_mem>>)
    %dma_start3A_144 = arith.constant 5 : i32
    %dma_start3A_145 = arith.constant 5 : i32
    %dma_start3A_146 = arith.constant 5 : i32
    %dma_start3A_147 = arith.constant 0 : i32
    %dma_start3A_148 = arith.constant 0 : i32
    %dma_start3A_149 = tpu.memref_slice %arg6[%dma_start3A_145, %dma_start3A_147, %dma_start3A_148] : memref<6x128x128xf32, #tpu.memory_space<vmem>> -> memref<1x128x128xf32, #tpu.memory_space<vmem>>
    %dma_start3A_150 = tpu.memref_squeeze %dma_start3A_149 : memref<1x128x128xf32, #tpu.memory_space<vmem>> -> memref<128x128xf32, #tpu.memory_space<vmem>>
    %dma_start3A_151 = arith.constant 0 : i32
    %dma_start3A_152 = tpu.memref_slice %arg5[%dma_start3A_144, %dma_start3A_151] : memref<50x128xi32, #tpu.memory_space<vmem>> -> memref<1x128xi32, #tpu.memory_space<vmem>>
    %dma_start3A_153 = tpu.memref_squeeze %dma_start3A_152 : memref<1x128xi32, #tpu.memory_space<vmem>> -> memref<128xi32, #tpu.memory_space<vmem>>
    %dma_start3A_154 = arith.constant 0 : i32
    %dma_start3A_155 = arith.constant 0 : i32
    %dma_start3A_156 = tpu.memref_slice %arg3[%dma_start3A_154, %dma_start3A_155] : memref<100001x128xf32, #tpu.memory_space<hbm>> -> memref<100001x128xf32, #tpu.memory_space<hbm>>
    %dma_start3A_157 = tpu.memref_slice %arg7[%dma_start3A_146] : memref<6x!tpu.dma_semaphore, #tpu.memory_space<semaphore_mem>> -> memref<1x!tpu.dma_semaphore, #tpu.memory_space<semaphore_mem>>
    %dma_start3A_158 = tpu.memref_squeeze %dma_start3A_157 : memref<1x!tpu.dma_semaphore, #tpu.memory_space<semaphore_mem>> -> memref<!tpu.dma_semaphore, #tpu.memory_space<semaphore_mem>>
    tpu.enqueue_indirect_dma source(%dma_start3A_156 : memref<100001x128xf32, #tpu.memory_space<hbm>>) target(%dma_start3A_150 : memref<128x128xf32, #tpu.memory_space<vmem>>) offsets(%dma_start3A_153 : memref<128xi32, #tpu.memory_space<vmem>>) semaphore(%dma_start3A_158 : memref<!tpu.dma_semaphore, #tpu.memory_space<semaphore_mem>>)
    %dma_wait3A_159 = arith.constant 0 : i32
    %dma_wait3A_160 = arith.constant 2 : i32
    %dma_wait3A_161 = arith.constant 2 : i32
    %dma_wait3A_162 = arith.constant 0 : i32
    %dma_wait3A_163 = arith.constant 0 : i32
    %dma_wait3A_164 = tpu.memref_slice %arg6[%dma_wait3A_160, %dma_wait3A_162, %dma_wait3A_163] : memref<6x128x128xf32, #tpu.memory_space<vmem>> -> memref<1x128x128xf32, #tpu.memory_space<vmem>>
    %dma_wait3A_165 = tpu.memref_squeeze %dma_wait3A_164 : memref<1x128x128xf32, #tpu.memory_space<vmem>> -> memref<128x128xf32, #tpu.memory_space<vmem>>
    %dma_wait3A_166 = arith.constant 0 : i32
    %dma_wait3A_167 = tpu.memref_slice %arg5[%dma_wait3A_159, %dma_wait3A_166] : memref<50x128xi32, #tpu.memory_space<vmem>> -> memref<1x128xi32, #tpu.memory_space<vmem>>
    %dma_wait3A_168 = tpu.memref_squeeze %dma_wait3A_167 : memref<1x128xi32, #tpu.memory_space<vmem>> -> memref<128xi32, #tpu.memory_space<vmem>>
    %dma_wait3A_169 = arith.constant 0 : i32
    %dma_wait3A_170 = arith.constant 0 : i32
    %dma_wait3A_171 = tpu.memref_slice %arg3[%dma_wait3A_169, %dma_wait3A_170] : memref<100001x128xf32, #tpu.memory_space<hbm>> -> memref<100001x128xf32, #tpu.memory_space<hbm>>
    %dma_wait3A_172 = tpu.memref_slice %arg7[%dma_wait3A_161] : memref<6x!tpu.dma_semaphore, #tpu.memory_space<semaphore_mem>> -> memref<1x!tpu.dma_semaphore, #tpu.memory_space<semaphore_mem>>
    %dma_wait3A_173 = tpu.memref_squeeze %dma_wait3A_172 : memref<1x!tpu.dma_semaphore, #tpu.memory_space<semaphore_mem>> -> memref<!tpu.dma_semaphore, #tpu.memory_space<semaphore_mem>>
    tpu.wait_indirect_dma semaphore(%dma_wait3A_173 : memref<!tpu.dma_semaphore, #tpu.memory_space<semaphore_mem>>) src(%dma_wait3A_171 : memref<100001x128xf32, #tpu.memory_space<hbm>>) dst(%dma_wait3A_165 : memref<128x128xf32, #tpu.memory_space<vmem>>)
    %dma_start3A_174 = arith.constant 2 : i32
    %dma_start3A_175 = arith.constant 2 : i32
    %dma_start3A_176 = arith.constant 2 : i32
    %dma_start3A_177 = arith.constant 0 : i32
    %dma_start3A_178 = arith.constant 0 : i32
    %dma_start3A_179 = tpu.memref_slice %arg6[%dma_start3A_174, %dma_start3A_177, %dma_start3A_178] : memref<6x128x128xf32, #tpu.memory_space<vmem>> -> memref<1x128x128xf32, #tpu.memory_space<vmem>>
    %dma_start3A_180 = tpu.memref_squeeze %dma_start3A_179 : memref<1x128x128xf32, #tpu.memory_space<vmem>> -> memref<128x128xf32, #tpu.memory_space<vmem>>
    %dma_start3A_181 = arith.constant 0 : i32
    %dma_start3A_182 = tpu.memref_slice %arg4[%dma_start3A_175, %mul3A_2, %dma_start3A_181] : memref<50x4096x128xf32, #tpu.memory_space<hbm>> -> memref<1x128x128xf32, #tpu.memory_space<hbm>>
    %dma_start3A_183 = tpu.memref_squeeze %dma_start3A_182 : memref<1x128x128xf32, #tpu.memory_space<hbm>> -> memref<128x128xf32, #tpu.memory_space<hbm>>
    %dma_start3A_184 = tpu.memref_slice %arg8[%dma_start3A_176] : memref<6x!tpu.dma_semaphore, #tpu.memory_space<semaphore_mem>> -> memref<1x!tpu.dma_semaphore, #tpu.memory_space<semaphore_mem>>
    %dma_start3A_185 = tpu.memref_squeeze %dma_start3A_184 : memref<1x!tpu.dma_semaphore, #tpu.memory_space<semaphore_mem>> -> memref<!tpu.dma_semaphore, #tpu.memory_space<semaphore_mem>>
    %dma_start3A_186 = arith.constant 0 : i32
    %dma_start3A_187 = tpu.memref_slice %arg4[%dma_start3A_175, %mul3A_2, %dma_start3A_186] : memref<50x4096x128xf32, #tpu.memory_space<hbm>> -> memref<1x128x128xf32, #tpu.memory_space<hbm>>
    %dma_start3A_188 = tpu.memref_squeeze %dma_start3A_187 : memref<1x128x128xf32, #tpu.memory_space<hbm>> -> memref<128x128xf32, #tpu.memory_space<hbm>>
    %dma_start3A_189 = arith.constant 0 : i32
    %dma_start3A_190 = arith.constant 0 : i32
    %dma_start3A_191 = tpu.memref_slice %arg6[%dma_start3A_174, %dma_start3A_189, %dma_start3A_190] : memref<6x128x128xf32, #tpu.memory_space<vmem>> -> memref<1x128x128xf32, #tpu.memory_space<vmem>>
    %dma_start3A_192 = tpu.memref_squeeze %dma_start3A_191 : memref<1x128x128xf32, #tpu.memory_space<vmem>> -> memref<128x128xf32, #tpu.memory_space<vmem>>
    tpu.enqueue_dma source(%dma_start3A_192 : memref<128x128xf32, #tpu.memory_space<vmem>>) target(%dma_start3A_188 : memref<128x128xf32, #tpu.memory_space<hbm>>) target_semaphore(%dma_start3A_185 : memref<!tpu.dma_semaphore, #tpu.memory_space<semaphore_mem>>)
    %scan3A = arith.constant 0 : i32
    %scan3A_193 = arith.constant 0 : i32
    %scan3A_194 = arith.constant 7 : i32
    %scan3A_195 = arith.addi %scan3A_193, %scan3A_194 : i32
    %scan3A_196 = arith.constant 1 : i32
    scf.for %scan3A_550 = %scan3A_193 to %scan3A_195 step %scan3A_196  : i32 {
      %mul3A_551 = arith.constant 6 : i32
      %mul3A_552 = arith.muli %scan3A_550, %mul3A_551 : i32
      %add3A_553 = arith.constant 3 : i32
      %add3A_554 = arith.addi %add3A_553, %mul3A_552 : i32
      %add3A_555 = arith.constant 0 : i32
      %add3A_556 = arith.addi %add3A_554, %add3A_555 : i32
      %dma_wait3A_557 = arith.constant 0 : i32
      %dma_wait3A_558 = arith.constant 0 : i32
      %dma_wait3A_559 = arith.constant 0 : i32
      %dma_wait3A_560 = arith.constant 0 : i32
      %dma_wait3A_561 = arith.constant 0 : i32
      %dma_wait3A_562 = tpu.memref_slice %arg6[%dma_wait3A_557, %dma_wait3A_560, %dma_wait3A_561] : memref<6x128x128xf32, #tpu.memory_space<vmem>> -> memref<1x128x128xf32, #tpu.memory_space<vmem>>
      %dma_wait3A_563 = tpu.memref_squeeze %dma_wait3A_562 : memref<1x128x128xf32, #tpu.memory_space<vmem>> -> memref<128x128xf32, #tpu.memory_space<vmem>>
      %dma_wait3A_564 = arith.constant 0 : i32
      %dma_wait3A_565 = tpu.memref_slice %arg4[%dma_wait3A_558, %mul3A_2, %dma_wait3A_564] : memref<50x4096x128xf32, #tpu.memory_space<hbm>> -> memref<1x128x128xf32, #tpu.memory_space<hbm>>
      %dma_wait3A_566 = tpu.memref_squeeze %dma_wait3A_565 : memref<1x128x128xf32, #tpu.memory_space<hbm>> -> memref<128x128xf32, #tpu.memory_space<hbm>>
      %dma_wait3A_567 = tpu.memref_slice %arg8[%dma_wait3A_559] : memref<6x!tpu.dma_semaphore, #tpu.memory_space<semaphore_mem>> -> memref<1x!tpu.dma_semaphore, #tpu.memory_space<semaphore_mem>>
      %dma_wait3A_568 = tpu.memref_squeeze %dma_wait3A_567 : memref<1x!tpu.dma_semaphore, #tpu.memory_space<semaphore_mem>> -> memref<!tpu.dma_semaphore, #tpu.memory_space<semaphore_mem>>
      %dma_wait3A_569 = arith.constant 0 : i32
      %dma_wait3A_570 = tpu.memref_slice %arg4[%dma_wait3A_558, %mul3A_2, %dma_wait3A_569] : memref<50x4096x128xf32, #tpu.memory_space<hbm>> -> memref<1x128x128xf32, #tpu.memory_space<hbm>>
      %dma_wait3A_571 = tpu.memref_squeeze %dma_wait3A_570 : memref<1x128x128xf32, #tpu.memory_space<hbm>> -> memref<128x128xf32, #tpu.memory_space<hbm>>
      %dma_wait3A_572 = arith.constant 0 : i32
      %dma_wait3A_573 = arith.constant 0 : i32
      %dma_wait3A_574 = tpu.memref_slice %arg6[%dma_wait3A_557, %dma_wait3A_572, %dma_wait3A_573] : memref<6x128x128xf32, #tpu.memory_space<vmem>> -> memref<1x128x128xf32, #tpu.memory_space<vmem>>
      %dma_wait3A_575 = tpu.memref_squeeze %dma_wait3A_574 : memref<1x128x128xf32, #tpu.memory_space<vmem>> -> memref<128x128xf32, #tpu.memory_space<vmem>>
      tpu.wait_dma2 semaphore(%dma_wait3A_568 : memref<!tpu.dma_semaphore, #tpu.memory_space<semaphore_mem>>) src(%dma_wait3A_575 : memref<128x128xf32, #tpu.memory_space<vmem>>) dst(%dma_wait3A_571 : memref<128x128xf32, #tpu.memory_space<hbm>>)
      %add3A_576 = arith.constant 3 : i32
      %add3A_577 = arith.addi %add3A_556, %add3A_576 : i32
      %dma_start3A_578 = arith.constant 0 : i32
      %dma_start3A_579 = arith.constant 0 : i32
      %dma_start3A_580 = arith.constant 0 : i32
      %dma_start3A_581 = arith.constant 0 : i32
      %dma_start3A_582 = tpu.memref_slice %arg6[%dma_start3A_578, %dma_start3A_580, %dma_start3A_581] : memref<6x128x128xf32, #tpu.memory_space<vmem>> -> memref<1x128x128xf32, #tpu.memory_space<vmem>>
      %dma_start3A_583 = tpu.memref_squeeze %dma_start3A_582 : memref<1x128x128xf32, #tpu.memory_space<vmem>> -> memref<128x128xf32, #tpu.memory_space<vmem>>
      %dma_start3A_584 = arith.constant 0 : i32
      %dma_start3A_585 = tpu.memref_slice %arg5[%add3A_577, %dma_start3A_584] : memref<50x128xi32, #tpu.memory_space<vmem>> -> memref<1x128xi32, #tpu.memory_space<vmem>>
      %dma_start3A_586 = tpu.memref_squeeze %dma_start3A_585 : memref<1x128xi32, #tpu.memory_space<vmem>> -> memref<128xi32, #tpu.memory_space<vmem>>
      %dma_start3A_587 = arith.constant 0 : i32
      %dma_start3A_588 = arith.constant 0 : i32
      %dma_start3A_589 = tpu.memref_slice %arg3[%dma_start3A_587, %dma_start3A_588] : memref<100001x128xf32, #tpu.memory_space<hbm>> -> memref<100001x128xf32, #tpu.memory_space<hbm>>
      %dma_start3A_590 = tpu.memref_slice %arg7[%dma_start3A_579] : memref<6x!tpu.dma_semaphore, #tpu.memory_space<semaphore_mem>> -> memref<1x!tpu.dma_semaphore, #tpu.memory_space<semaphore_mem>>
      %dma_start3A_591 = tpu.memref_squeeze %dma_start3A_590 : memref<1x!tpu.dma_semaphore, #tpu.memory_space<semaphore_mem>> -> memref<!tpu.dma_semaphore, #tpu.memory_space<semaphore_mem>>
      tpu.enqueue_indirect_dma source(%dma_start3A_589 : memref<100001x128xf32, #tpu.memory_space<hbm>>) target(%dma_start3A_583 : memref<128x128xf32, #tpu.memory_space<vmem>>) offsets(%dma_start3A_586 : memref<128xi32, #tpu.memory_space<vmem>>) semaphore(%dma_start3A_591 : memref<!tpu.dma_semaphore, #tpu.memory_space<semaphore_mem>>)
      %dma_wait3A_592 = arith.constant 0 : i32
      %dma_wait3A_593 = arith.constant 3 : i32
      %dma_wait3A_594 = arith.constant 3 : i32
      %dma_wait3A_595 = arith.constant 0 : i32
      %dma_wait3A_596 = arith.constant 0 : i32
      %dma_wait3A_597 = tpu.memref_slice %arg6[%dma_wait3A_593, %dma_wait3A_595, %dma_wait3A_596] : memref<6x128x128xf32, #tpu.memory_space<vmem>> -> memref<1x128x128xf32, #tpu.memory_space<vmem>>
      %dma_wait3A_598 = tpu.memref_squeeze %dma_wait3A_597 : memref<1x128x128xf32, #tpu.memory_space<vmem>> -> memref<128x128xf32, #tpu.memory_space<vmem>>
      %dma_wait3A_599 = arith.constant 0 : i32
      %dma_wait3A_600 = tpu.memref_slice %arg5[%dma_wait3A_592, %dma_wait3A_599] : memref<50x128xi32, #tpu.memory_space<vmem>> -> memref<1x128xi32, #tpu.memory_space<vmem>>
      %dma_wait3A_601 = tpu.memref_squeeze %dma_wait3A_600 : memref<1x128xi32, #tpu.memory_space<vmem>> -> memref<128xi32, #tpu.memory_space<vmem>>
      %dma_wait3A_602 = arith.constant 0 : i32
      %dma_wait3A_603 = arith.constant 0 : i32
      %dma_wait3A_604 = tpu.memref_slice %arg3[%dma_wait3A_602, %dma_wait3A_603] : memref<100001x128xf32, #tpu.memory_space<hbm>> -> memref<100001x128xf32, #tpu.memory_space<hbm>>
      %dma_wait3A_605 = tpu.memref_slice %arg7[%dma_wait3A_594] : memref<6x!tpu.dma_semaphore, #tpu.memory_space<semaphore_mem>> -> memref<1x!tpu.dma_semaphore, #tpu.memory_space<semaphore_mem>>
      %dma_wait3A_606 = tpu.memref_squeeze %dma_wait3A_605 : memref<1x!tpu.dma_semaphore, #tpu.memory_space<semaphore_mem>> -> memref<!tpu.dma_semaphore, #tpu.memory_space<semaphore_mem>>
      tpu.wait_indirect_dma semaphore(%dma_wait3A_606 : memref<!tpu.dma_semaphore, #tpu.memory_space<semaphore_mem>>) src(%dma_wait3A_604 : memref<100001x128xf32, #tpu.memory_space<hbm>>) dst(%dma_wait3A_598 : memref<128x128xf32, #tpu.memory_space<vmem>>)
      %dma_start3A_607 = arith.constant 3 : i32
      %dma_start3A_608 = arith.constant 3 : i32
      %dma_start3A_609 = arith.constant 0 : i32
      %dma_start3A_610 = arith.constant 0 : i32
      %dma_start3A_611 = tpu.memref_slice %arg6[%dma_start3A_607, %dma_start3A_609, %dma_start3A_610] : memref<6x128x128xf32, #tpu.memory_space<vmem>> -> memref<1x128x128xf32, #tpu.memory_space<vmem>>
      %dma_start3A_612 = tpu.memref_squeeze %dma_start3A_611 : memref<1x128x128xf32, #tpu.memory_space<vmem>> -> memref<128x128xf32, #tpu.memory_space<vmem>>
      %dma_start3A_613 = arith.constant 0 : i32
      %dma_start3A_614 = tpu.memref_slice %arg4[%add3A_556, %mul3A_2, %dma_start3A_613] : memref<50x4096x128xf32, #tpu.memory_space<hbm>> -> memref<1x128x128xf32, #tpu.memory_space<hbm>>
      %dma_start3A_615 = tpu.memref_squeeze %dma_start3A_614 : memref<1x128x128xf32, #tpu.memory_space<hbm>> -> memref<128x128xf32, #tpu.memory_space<hbm>>
      %dma_start3A_616 = tpu.memref_slice %arg8[%dma_start3A_608] : memref<6x!tpu.dma_semaphore, #tpu.memory_space<semaphore_mem>> -> memref<1x!tpu.dma_semaphore, #tpu.memory_space<semaphore_mem>>
      %dma_start3A_617 = tpu.memref_squeeze %dma_start3A_616 : memref<1x!tpu.dma_semaphore, #tpu.memory_space<semaphore_mem>> -> memref<!tpu.dma_semaphore, #tpu.memory_space<semaphore_mem>>
      %dma_start3A_618 = arith.constant 0 : i32
      %dma_start3A_619 = tpu.memref_slice %arg4[%add3A_556, %mul3A_2, %dma_start3A_618] : memref<50x4096x128xf32, #tpu.memory_space<hbm>> -> memref<1x128x128xf32, #tpu.memory_space<hbm>>
      %dma_start3A_620 = tpu.memref_squeeze %dma_start3A_619 : memref<1x128x128xf32, #tpu.memory_space<hbm>> -> memref<128x128xf32, #tpu.memory_space<hbm>>
      %dma_start3A_621 = arith.constant 0 : i32
      %dma_start3A_622 = arith.constant 0 : i32
      %dma_start3A_623 = tpu.memref_slice %arg6[%dma_start3A_607, %dma_start3A_621, %dma_start3A_622] : memref<6x128x128xf32, #tpu.memory_space<vmem>> -> memref<1x128x128xf32, #tpu.memory_space<vmem>>
      %dma_start3A_624 = tpu.memref_squeeze %dma_start3A_623 : memref<1x128x128xf32, #tpu.memory_space<vmem>> -> memref<128x128xf32, #tpu.memory_space<vmem>>
      tpu.enqueue_dma source(%dma_start3A_624 : memref<128x128xf32, #tpu.memory_space<vmem>>) target(%dma_start3A_620 : memref<128x128xf32, #tpu.memory_space<hbm>>) target_semaphore(%dma_start3A_617 : memref<!tpu.dma_semaphore, #tpu.memory_space<semaphore_mem>>)
      %add3A_625 = arith.constant 1 : i32
      %add3A_626 = arith.addi %add3A_554, %add3A_625 : i32
      %dma_wait3A_627 = arith.constant 1 : i32
      %dma_wait3A_628 = arith.constant 0 : i32
      %dma_wait3A_629 = arith.constant 1 : i32
      %dma_wait3A_630 = arith.constant 0 : i32
      %dma_wait3A_631 = arith.constant 0 : i32
      %dma_wait3A_632 = tpu.memref_slice %arg6[%dma_wait3A_627, %dma_wait3A_630, %dma_wait3A_631] : memref<6x128x128xf32, #tpu.memory_space<vmem>> -> memref<1x128x128xf32, #tpu.memory_space<vmem>>
      %dma_wait3A_633 = tpu.memref_squeeze %dma_wait3A_632 : memref<1x128x128xf32, #tpu.memory_space<vmem>> -> memref<128x128xf32, #tpu.memory_space<vmem>>
      %dma_wait3A_634 = arith.constant 0 : i32
      %dma_wait3A_635 = tpu.memref_slice %arg4[%dma_wait3A_628, %mul3A_2, %dma_wait3A_634] : memref<50x4096x128xf32, #tpu.memory_space<hbm>> -> memref<1x128x128xf32, #tpu.memory_space<hbm>>
      %dma_wait3A_636 = tpu.memref_squeeze %dma_wait3A_635 : memref<1x128x128xf32, #tpu.memory_space<hbm>> -> memref<128x128xf32, #tpu.memory_space<hbm>>
      %dma_wait3A_637 = tpu.memref_slice %arg8[%dma_wait3A_629] : memref<6x!tpu.dma_semaphore, #tpu.memory_space<semaphore_mem>> -> memref<1x!tpu.dma_semaphore, #tpu.memory_space<semaphore_mem>>
      %dma_wait3A_638 = tpu.memref_squeeze %dma_wait3A_637 : memref<1x!tpu.dma_semaphore, #tpu.memory_space<semaphore_mem>> -> memref<!tpu.dma_semaphore, #tpu.memory_space<semaphore_mem>>
      %dma_wait3A_639 = arith.constant 0 : i32
      %dma_wait3A_640 = tpu.memref_slice %arg4[%dma_wait3A_628, %mul3A_2, %dma_wait3A_639] : memref<50x4096x128xf32, #tpu.memory_space<hbm>> -> memref<1x128x128xf32, #tpu.memory_space<hbm>>
      %dma_wait3A_641 = tpu.memref_squeeze %dma_wait3A_640 : memref<1x128x128xf32, #tpu.memory_space<hbm>> -> memref<128x128xf32, #tpu.memory_space<hbm>>
      %dma_wait3A_642 = arith.constant 0 : i32
      %dma_wait3A_643 = arith.constant 0 : i32
      %dma_wait3A_644 = tpu.memref_slice %arg6[%dma_wait3A_627, %dma_wait3A_642, %dma_wait3A_643] : memref<6x128x128xf32, #tpu.memory_space<vmem>> -> memref<1x128x128xf32, #tpu.memory_space<vmem>>
      %dma_wait3A_645 = tpu.memref_squeeze %dma_wait3A_644 : memref<1x128x128xf32, #tpu.memory_space<vmem>> -> memref<128x128xf32, #tpu.memory_space<vmem>>
      tpu.wait_dma2 semaphore(%dma_wait3A_638 : memref<!tpu.dma_semaphore, #tpu.memory_space<semaphore_mem>>) src(%dma_wait3A_645 : memref<128x128xf32, #tpu.memory_space<vmem>>) dst(%dma_wait3A_641 : memref<128x128xf32, #tpu.memory_space<hbm>>)
      %add3A_646 = arith.constant 3 : i32
      %add3A_647 = arith.addi %add3A_626, %add3A_646 : i32
      %dma_start3A_648 = arith.constant 1 : i32
      %dma_start3A_649 = arith.constant 1 : i32
      %dma_start3A_650 = arith.constant 0 : i32
      %dma_start3A_651 = arith.constant 0 : i32
      %dma_start3A_652 = tpu.memref_slice %arg6[%dma_start3A_648, %dma_start3A_650, %dma_start3A_651] : memref<6x128x128xf32, #tpu.memory_space<vmem>> -> memref<1x128x128xf32, #tpu.memory_space<vmem>>
      %dma_start3A_653 = tpu.memref_squeeze %dma_start3A_652 : memref<1x128x128xf32, #tpu.memory_space<vmem>> -> memref<128x128xf32, #tpu.memory_space<vmem>>
      %dma_start3A_654 = arith.constant 0 : i32
      %dma_start3A_655 = tpu.memref_slice %arg5[%add3A_647, %dma_start3A_654] : memref<50x128xi32, #tpu.memory_space<vmem>> -> memref<1x128xi32, #tpu.memory_space<vmem>>
      %dma_start3A_656 = tpu.memref_squeeze %dma_start3A_655 : memref<1x128xi32, #tpu.memory_space<vmem>> -> memref<128xi32, #tpu.memory_space<vmem>>
      %dma_start3A_657 = arith.constant 0 : i32
      %dma_start3A_658 = arith.constant 0 : i32
      %dma_start3A_659 = tpu.memref_slice %arg3[%dma_start3A_657, %dma_start3A_658] : memref<100001x128xf32, #tpu.memory_space<hbm>> -> memref<100001x128xf32, #tpu.memory_space<hbm>>
      %dma_start3A_660 = tpu.memref_slice %arg7[%dma_start3A_649] : memref<6x!tpu.dma_semaphore, #tpu.memory_space<semaphore_mem>> -> memref<1x!tpu.dma_semaphore, #tpu.memory_space<semaphore_mem>>
      %dma_start3A_661 = tpu.memref_squeeze %dma_start3A_660 : memref<1x!tpu.dma_semaphore, #tpu.memory_space<semaphore_mem>> -> memref<!tpu.dma_semaphore, #tpu.memory_space<semaphore_mem>>
      tpu.enqueue_indirect_dma source(%dma_start3A_659 : memref<100001x128xf32, #tpu.memory_space<hbm>>) target(%dma_start3A_653 : memref<128x128xf32, #tpu.memory_space<vmem>>) offsets(%dma_start3A_656 : memref<128xi32, #tpu.memory_space<vmem>>) semaphore(%dma_start3A_661 : memref<!tpu.dma_semaphore, #tpu.memory_space<semaphore_mem>>)
      %dma_wait3A_662 = arith.constant 0 : i32
      %dma_wait3A_663 = arith.constant 4 : i32
      %dma_wait3A_664 = arith.constant 4 : i32
      %dma_wait3A_665 = arith.constant 0 : i32
      %dma_wait3A_666 = arith.constant 0 : i32
      %dma_wait3A_667 = tpu.memref_slice %arg6[%dma_wait3A_663, %dma_wait3A_665, %dma_wait3A_666] : memref<6x128x128xf32, #tpu.memory_space<vmem>> -> memref<1x128x128xf32, #tpu.memory_space<vmem>>
      %dma_wait3A_668 = tpu.memref_squeeze %dma_wait3A_667 : memref<1x128x128xf32, #tpu.memory_space<vmem>> -> memref<128x128xf32, #tpu.memory_space<vmem>>
      %dma_wait3A_669 = arith.constant 0 : i32
      %dma_wait3A_670 = tpu.memref_slice %arg5[%dma_wait3A_662, %dma_wait3A_669] : memref<50x128xi32, #tpu.memory_space<vmem>> -> memref<1x128xi32, #tpu.memory_space<vmem>>
      %dma_wait3A_671 = tpu.memref_squeeze %dma_wait3A_670 : memref<1x128xi32, #tpu.memory_space<vmem>> -> memref<128xi32, #tpu.memory_space<vmem>>
      %dma_wait3A_672 = arith.constant 0 : i32
      %dma_wait3A_673 = arith.constant 0 : i32
      %dma_wait3A_674 = tpu.memref_slice %arg3[%dma_wait3A_672, %dma_wait3A_673] : memref<100001x128xf32, #tpu.memory_space<hbm>> -> memref<100001x128xf32, #tpu.memory_space<hbm>>
      %dma_wait3A_675 = tpu.memref_slice %arg7[%dma_wait3A_664] : memref<6x!tpu.dma_semaphore, #tpu.memory_space<semaphore_mem>> -> memref<1x!tpu.dma_semaphore, #tpu.memory_space<semaphore_mem>>
      %dma_wait3A_676 = tpu.memref_squeeze %dma_wait3A_675 : memref<1x!tpu.dma_semaphore, #tpu.memory_space<semaphore_mem>> -> memref<!tpu.dma_semaphore, #tpu.memory_space<semaphore_mem>>
      tpu.wait_indirect_dma semaphore(%dma_wait3A_676 : memref<!tpu.dma_semaphore, #tpu.memory_space<semaphore_mem>>) src(%dma_wait3A_674 : memref<100001x128xf32, #tpu.memory_space<hbm>>) dst(%dma_wait3A_668 : memref<128x128xf32, #tpu.memory_space<vmem>>)
      %dma_start3A_677 = arith.constant 4 : i32
      %dma_start3A_678 = arith.constant 4 : i32
      %dma_start3A_679 = arith.constant 0 : i32
      %dma_start3A_680 = arith.constant 0 : i32
      %dma_start3A_681 = tpu.memref_slice %arg6[%dma_start3A_677, %dma_start3A_679, %dma_start3A_680] : memref<6x128x128xf32, #tpu.memory_space<vmem>> -> memref<1x128x128xf32, #tpu.memory_space<vmem>>
      %dma_start3A_682 = tpu.memref_squeeze %dma_start3A_681 : memref<1x128x128xf32, #tpu.memory_space<vmem>> -> memref<128x128xf32, #tpu.memory_space<vmem>>
      %dma_start3A_683 = arith.constant 0 : i32
      %dma_start3A_684 = tpu.memref_slice %arg4[%add3A_626, %mul3A_2, %dma_start3A_683] : memref<50x4096x128xf32, #tpu.memory_space<hbm>> -> memref<1x128x128xf32, #tpu.memory_space<hbm>>
      %dma_start3A_685 = tpu.memref_squeeze %dma_start3A_684 : memref<1x128x128xf32, #tpu.memory_space<hbm>> -> memref<128x128xf32, #tpu.memory_space<hbm>>
      %dma_start3A_686 = tpu.memref_slice %arg8[%dma_start3A_678] : memref<6x!tpu.dma_semaphore, #tpu.memory_space<semaphore_mem>> -> memref<1x!tpu.dma_semaphore, #tpu.memory_space<semaphore_mem>>
      %dma_start3A_687 = tpu.memref_squeeze %dma_start3A_686 : memref<1x!tpu.dma_semaphore, #tpu.memory_space<semaphore_mem>> -> memref<!tpu.dma_semaphore, #tpu.memory_space<semaphore_mem>>
      %dma_start3A_688 = arith.constant 0 : i32
      %dma_start3A_689 = tpu.memref_slice %arg4[%add3A_626, %mul3A_2, %dma_start3A_688] : memref<50x4096x128xf32, #tpu.memory_space<hbm>> -> memref<1x128x128xf32, #tpu.memory_space<hbm>>
      %dma_start3A_690 = tpu.memref_squeeze %dma_start3A_689 : memref<1x128x128xf32, #tpu.memory_space<hbm>> -> memref<128x128xf32, #tpu.memory_space<hbm>>
      %dma_start3A_691 = arith.constant 0 : i32
      %dma_start3A_692 = arith.constant 0 : i32
      %dma_start3A_693 = tpu.memref_slice %arg6[%dma_start3A_677, %dma_start3A_691, %dma_start3A_692] : memref<6x128x128xf32, #tpu.memory_space<vmem>> -> memref<1x128x128xf32, #tpu.memory_space<vmem>>
      %dma_start3A_694 = tpu.memref_squeeze %dma_start3A_693 : memref<1x128x128xf32, #tpu.memory_space<vmem>> -> memref<128x128xf32, #tpu.memory_space<vmem>>
      tpu.enqueue_dma source(%dma_start3A_694 : memref<128x128xf32, #tpu.memory_space<vmem>>) target(%dma_start3A_690 : memref<128x128xf32, #tpu.memory_space<hbm>>) target_semaphore(%dma_start3A_687 : memref<!tpu.dma_semaphore, #tpu.memory_space<semaphore_mem>>)
      %add3A_695 = arith.constant 2 : i32
      %add3A_696 = arith.addi %add3A_554, %add3A_695 : i32
      %dma_wait3A_697 = arith.constant 2 : i32
      %dma_wait3A_698 = arith.constant 0 : i32
      %dma_wait3A_699 = arith.constant 2 : i32
      %dma_wait3A_700 = arith.constant 0 : i32
      %dma_wait3A_701 = arith.constant 0 : i32
      %dma_wait3A_702 = tpu.memref_slice %arg6[%dma_wait3A_697, %dma_wait3A_700, %dma_wait3A_701] : memref<6x128x128xf32, #tpu.memory_space<vmem>> -> memref<1x128x128xf32, #tpu.memory_space<vmem>>
      %dma_wait3A_703 = tpu.memref_squeeze %dma_wait3A_702 : memref<1x128x128xf32, #tpu.memory_space<vmem>> -> memref<128x128xf32, #tpu.memory_space<vmem>>
      %dma_wait3A_704 = arith.constant 0 : i32
      %dma_wait3A_705 = tpu.memref_slice %arg4[%dma_wait3A_698, %mul3A_2, %dma_wait3A_704] : memref<50x4096x128xf32, #tpu.memory_space<hbm>> -> memref<1x128x128xf32, #tpu.memory_space<hbm>>
      %dma_wait3A_706 = tpu.memref_squeeze %dma_wait3A_705 : memref<1x128x128xf32, #tpu.memory_space<hbm>> -> memref<128x128xf32, #tpu.memory_space<hbm>>
      %dma_wait3A_707 = tpu.memref_slice %arg8[%dma_wait3A_699] : memref<6x!tpu.dma_semaphore, #tpu.memory_space<semaphore_mem>> -> memref<1x!tpu.dma_semaphore, #tpu.memory_space<semaphore_mem>>
      %dma_wait3A_708 = tpu.memref_squeeze %dma_wait3A_707 : memref<1x!tpu.dma_semaphore, #tpu.memory_space<semaphore_mem>> -> memref<!tpu.dma_semaphore, #tpu.memory_space<semaphore_mem>>
      %dma_wait3A_709 = arith.constant 0 : i32
      %dma_wait3A_710 = tpu.memref_slice %arg4[%dma_wait3A_698, %mul3A_2, %dma_wait3A_709] : memref<50x4096x128xf32, #tpu.memory_space<hbm>> -> memref<1x128x128xf32, #tpu.memory_space<hbm>>
      %dma_wait3A_711 = tpu.memref_squeeze %dma_wait3A_710 : memref<1x128x128xf32, #tpu.memory_space<hbm>> -> memref<128x128xf32, #tpu.memory_space<hbm>>
      %dma_wait3A_712 = arith.constant 0 : i32
      %dma_wait3A_713 = arith.constant 0 : i32
      %dma_wait3A_714 = tpu.memref_slice %arg6[%dma_wait3A_697, %dma_wait3A_712, %dma_wait3A_713] : memref<6x128x128xf32, #tpu.memory_space<vmem>> -> memref<1x128x128xf32, #tpu.memory_space<vmem>>
      %dma_wait3A_715 = tpu.memref_squeeze %dma_wait3A_714 : memref<1x128x128xf32, #tpu.memory_space<vmem>> -> memref<128x128xf32, #tpu.memory_space<vmem>>
      tpu.wait_dma2 semaphore(%dma_wait3A_708 : memref<!tpu.dma_semaphore, #tpu.memory_space<semaphore_mem>>) src(%dma_wait3A_715 : memref<128x128xf32, #tpu.memory_space<vmem>>) dst(%dma_wait3A_711 : memref<128x128xf32, #tpu.memory_space<hbm>>)
      %add3A_716 = arith.constant 3 : i32
      %add3A_717 = arith.addi %add3A_696, %add3A_716 : i32
      %dma_start3A_718 = arith.constant 2 : i32
      %dma_start3A_719 = arith.constant 2 : i32
      %dma_start3A_720 = arith.constant 0 : i32
      %dma_start3A_721 = arith.constant 0 : i32
      %dma_start3A_722 = tpu.memref_slice %arg6[%dma_start3A_718, %dma_start3A_720, %dma_start3A_721] : memref<6x128x128xf32, #tpu.memory_space<vmem>> -> memref<1x128x128xf32, #tpu.memory_space<vmem>>
      %dma_start3A_723 = tpu.memref_squeeze %dma_start3A_722 : memref<1x128x128xf32, #tpu.memory_space<vmem>> -> memref<128x128xf32, #tpu.memory_space<vmem>>
      %dma_start3A_724 = arith.constant 0 : i32
      %dma_start3A_725 = tpu.memref_slice %arg5[%add3A_717, %dma_start3A_724] : memref<50x128xi32, #tpu.memory_space<vmem>> -> memref<1x128xi32, #tpu.memory_space<vmem>>
      %dma_start3A_726 = tpu.memref_squeeze %dma_start3A_725 : memref<1x128xi32, #tpu.memory_space<vmem>> -> memref<128xi32, #tpu.memory_space<vmem>>
      %dma_start3A_727 = arith.constant 0 : i32
      %dma_start3A_728 = arith.constant 0 : i32
      %dma_start3A_729 = tpu.memref_slice %arg3[%dma_start3A_727, %dma_start3A_728] : memref<100001x128xf32, #tpu.memory_space<hbm>> -> memref<100001x128xf32, #tpu.memory_space<hbm>>
      %dma_start3A_730 = tpu.memref_slice %arg7[%dma_start3A_719] : memref<6x!tpu.dma_semaphore, #tpu.memory_space<semaphore_mem>> -> memref<1x!tpu.dma_semaphore, #tpu.memory_space<semaphore_mem>>
      %dma_start3A_731 = tpu.memref_squeeze %dma_start3A_730 : memref<1x!tpu.dma_semaphore, #tpu.memory_space<semaphore_mem>> -> memref<!tpu.dma_semaphore, #tpu.memory_space<semaphore_mem>>
      tpu.enqueue_indirect_dma source(%dma_start3A_729 : memref<100001x128xf32, #tpu.memory_space<hbm>>) target(%dma_start3A_723 : memref<128x128xf32, #tpu.memory_space<vmem>>) offsets(%dma_start3A_726 : memref<128xi32, #tpu.memory_space<vmem>>) semaphore(%dma_start3A_731 : memref<!tpu.dma_semaphore, #tpu.memory_space<semaphore_mem>>)
      %dma_wait3A_732 = arith.constant 0 : i32
      %dma_wait3A_733 = arith.constant 5 : i32
      %dma_wait3A_734 = arith.constant 5 : i32
      %dma_wait3A_735 = arith.constant 0 : i32
      %dma_wait3A_736 = arith.constant 0 : i32
      %dma_wait3A_737 = tpu.memref_slice %arg6[%dma_wait3A_733, %dma_wait3A_735, %dma_wait3A_736] : memref<6x128x128xf32, #tpu.memory_space<vmem>> -> memref<1x128x128xf32, #tpu.memory_space<vmem>>
      %dma_wait3A_738 = tpu.memref_squeeze %dma_wait3A_737 : memref<1x128x128xf32, #tpu.memory_space<vmem>> -> memref<128x128xf32, #tpu.memory_space<vmem>>
      %dma_wait3A_739 = arith.constant 0 : i32
      %dma_wait3A_740 = tpu.memref_slice %arg5[%dma_wait3A_732, %dma_wait3A_739] : memref<50x128xi32, #tpu.memory_space<vmem>> -> memref<1x128xi32, #tpu.memory_space<vmem>>
      %dma_wait3A_741 = tpu.memref_squeeze %dma_wait3A_740 : memref<1x128xi32, #tpu.memory_space<vmem>> -> memref<128xi32, #tpu.memory_space<vmem>>
      %dma_wait3A_742 = arith.constant 0 : i32
      %dma_wait3A_743 = arith.constant 0 : i32
      %dma_wait3A_744 = tpu.memref_slice %arg3[%dma_wait3A_742, %dma_wait3A_743] : memref<100001x128xf32, #tpu.memory_space<hbm>> -> memref<100001x128xf32, #tpu.memory_space<hbm>>
      %dma_wait3A_745 = tpu.memref_slice %arg7[%dma_wait3A_734] : memref<6x!tpu.dma_semaphore, #tpu.memory_space<semaphore_mem>> -> memref<1x!tpu.dma_semaphore, #tpu.memory_space<semaphore_mem>>
      %dma_wait3A_746 = tpu.memref_squeeze %dma_wait3A_745 : memref<1x!tpu.dma_semaphore, #tpu.memory_space<semaphore_mem>> -> memref<!tpu.dma_semaphore, #tpu.memory_space<semaphore_mem>>
      tpu.wait_indirect_dma semaphore(%dma_wait3A_746 : memref<!tpu.dma_semaphore, #tpu.memory_space<semaphore_mem>>) src(%dma_wait3A_744 : memref<100001x128xf32, #tpu.memory_space<hbm>>) dst(%dma_wait3A_738 : memref<128x128xf32, #tpu.memory_space<vmem>>)
      %dma_start3A_747 = arith.constant 5 : i32
      %dma_start3A_748 = arith.constant 5 : i32
      %dma_start3A_749 = arith.constant 0 : i32
      %dma_start3A_750 = arith.constant 0 : i32
      %dma_start3A_751 = tpu.memref_slice %arg6[%dma_start3A_747, %dma_start3A_749, %dma_start3A_750] : memref<6x128x128xf32, #tpu.memory_space<vmem>> -> memref<1x128x128xf32, #tpu.memory_space<vmem>>
      %dma_start3A_752 = tpu.memref_squeeze %dma_start3A_751 : memref<1x128x128xf32, #tpu.memory_space<vmem>> -> memref<128x128xf32, #tpu.memory_space<vmem>>
      %dma_start3A_753 = arith.constant 0 : i32
      %dma_start3A_754 = tpu.memref_slice %arg4[%add3A_696, %mul3A_2, %dma_start3A_753] : memref<50x4096x128xf32, #tpu.memory_space<hbm>> -> memref<1x128x128xf32, #tpu.memory_space<hbm>>
      %dma_start3A_755 = tpu.memref_squeeze %dma_start3A_754 : memref<1x128x128xf32, #tpu.memory_space<hbm>> -> memref<128x128xf32, #tpu.memory_space<hbm>>
      %dma_start3A_756 = tpu.memref_slice %arg8[%dma_start3A_748] : memref<6x!tpu.dma_semaphore, #tpu.memory_space<semaphore_mem>> -> memref<1x!tpu.dma_semaphore, #tpu.memory_space<semaphore_mem>>
      %dma_start3A_757 = tpu.memref_squeeze %dma_start3A_756 : memref<1x!tpu.dma_semaphore, #tpu.memory_space<semaphore_mem>> -> memref<!tpu.dma_semaphore, #tpu.memory_space<semaphore_mem>>
      %dma_start3A_758 = arith.constant 0 : i32
      %dma_start3A_759 = tpu.memref_slice %arg4[%add3A_696, %mul3A_2, %dma_start3A_758] : memref<50x4096x128xf32, #tpu.memory_space<hbm>> -> memref<1x128x128xf32, #tpu.memory_space<hbm>>
      %dma_start3A_760 = tpu.memref_squeeze %dma_start3A_759 : memref<1x128x128xf32, #tpu.memory_space<hbm>> -> memref<128x128xf32, #tpu.memory_space<hbm>>
      %dma_start3A_761 = arith.constant 0 : i32
      %dma_start3A_762 = arith.constant 0 : i32
      %dma_start3A_763 = tpu.memref_slice %arg6[%dma_start3A_747, %dma_start3A_761, %dma_start3A_762] : memref<6x128x128xf32, #tpu.memory_space<vmem>> -> memref<1x128x128xf32, #tpu.memory_space<vmem>>
      %dma_start3A_764 = tpu.memref_squeeze %dma_start3A_763 : memref<1x128x128xf32, #tpu.memory_space<vmem>> -> memref<128x128xf32, #tpu.memory_space<vmem>>
      tpu.enqueue_dma source(%dma_start3A_764 : memref<128x128xf32, #tpu.memory_space<vmem>>) target(%dma_start3A_760 : memref<128x128xf32, #tpu.memory_space<hbm>>) target_semaphore(%dma_start3A_757 : memref<!tpu.dma_semaphore, #tpu.memory_space<semaphore_mem>>)
      %add3A_765 = arith.constant 3 : i32
      %add3A_766 = arith.addi %add3A_554, %add3A_765 : i32
      %dma_wait3A_767 = arith.constant 3 : i32
      %dma_wait3A_768 = arith.constant 0 : i32
      %dma_wait3A_769 = arith.constant 3 : i32
      %dma_wait3A_770 = arith.constant 0 : i32
      %dma_wait3A_771 = arith.constant 0 : i32
      %dma_wait3A_772 = tpu.memref_slice %arg6[%dma_wait3A_767, %dma_wait3A_770, %dma_wait3A_771] : memref<6x128x128xf32, #tpu.memory_space<vmem>> -> memref<1x128x128xf32, #tpu.memory_space<vmem>>
      %dma_wait3A_773 = tpu.memref_squeeze %dma_wait3A_772 : memref<1x128x128xf32, #tpu.memory_space<vmem>> -> memref<128x128xf32, #tpu.memory_space<vmem>>
      %dma_wait3A_774 = arith.constant 0 : i32
      %dma_wait3A_775 = tpu.memref_slice %arg4[%dma_wait3A_768, %mul3A_2, %dma_wait3A_774] : memref<50x4096x128xf32, #tpu.memory_space<hbm>> -> memref<1x128x128xf32, #tpu.memory_space<hbm>>
      %dma_wait3A_776 = tpu.memref_squeeze %dma_wait3A_775 : memref<1x128x128xf32, #tpu.memory_space<hbm>> -> memref<128x128xf32, #tpu.memory_space<hbm>>
      %dma_wait3A_777 = tpu.memref_slice %arg8[%dma_wait3A_769] : memref<6x!tpu.dma_semaphore, #tpu.memory_space<semaphore_mem>> -> memref<1x!tpu.dma_semaphore, #tpu.memory_space<semaphore_mem>>
      %dma_wait3A_778 = tpu.memref_squeeze %dma_wait3A_777 : memref<1x!tpu.dma_semaphore, #tpu.memory_space<semaphore_mem>> -> memref<!tpu.dma_semaphore, #tpu.memory_space<semaphore_mem>>
      %dma_wait3A_779 = arith.constant 0 : i32
      %dma_wait3A_780 = tpu.memref_slice %arg4[%dma_wait3A_768, %mul3A_2, %dma_wait3A_779] : memref<50x4096x128xf32, #tpu.memory_space<hbm>> -> memref<1x128x128xf32, #tpu.memory_space<hbm>>
      %dma_wait3A_781 = tpu.memref_squeeze %dma_wait3A_780 : memref<1x128x128xf32, #tpu.memory_space<hbm>> -> memref<128x128xf32, #tpu.memory_space<hbm>>
      %dma_wait3A_782 = arith.constant 0 : i32
      %dma_wait3A_783 = arith.constant 0 : i32
      %dma_wait3A_784 = tpu.memref_slice %arg6[%dma_wait3A_767, %dma_wait3A_782, %dma_wait3A_783] : memref<6x128x128xf32, #tpu.memory_space<vmem>> -> memref<1x128x128xf32, #tpu.memory_space<vmem>>
      %dma_wait3A_785 = tpu.memref_squeeze %dma_wait3A_784 : memref<1x128x128xf32, #tpu.memory_space<vmem>> -> memref<128x128xf32, #tpu.memory_space<vmem>>
      tpu.wait_dma2 semaphore(%dma_wait3A_778 : memref<!tpu.dma_semaphore, #tpu.memory_space<semaphore_mem>>) src(%dma_wait3A_785 : memref<128x128xf32, #tpu.memory_space<vmem>>) dst(%dma_wait3A_781 : memref<128x128xf32, #tpu.memory_space<hbm>>)
      %add3A_786 = arith.constant 3 : i32
      %add3A_787 = arith.addi %add3A_766, %add3A_786 : i32
      %dma_start3A_788 = arith.constant 3 : i32
      %dma_start3A_789 = arith.constant 3 : i32
      %dma_start3A_790 = arith.constant 0 : i32
      %dma_start3A_791 = arith.constant 0 : i32
      %dma_start3A_792 = tpu.memref_slice %arg6[%dma_start3A_788, %dma_start3A_790, %dma_start3A_791] : memref<6x128x128xf32, #tpu.memory_space<vmem>> -> memref<1x128x128xf32, #tpu.memory_space<vmem>>
      %dma_start3A_793 = tpu.memref_squeeze %dma_start3A_792 : memref<1x128x128xf32, #tpu.memory_space<vmem>> -> memref<128x128xf32, #tpu.memory_space<vmem>>
      %dma_start3A_794 = arith.constant 0 : i32
      %dma_start3A_795 = tpu.memref_slice %arg5[%add3A_787, %dma_start3A_794] : memref<50x128xi32, #tpu.memory_space<vmem>> -> memref<1x128xi32, #tpu.memory_space<vmem>>
      %dma_start3A_796 = tpu.memref_squeeze %dma_start3A_795 : memref<1x128xi32, #tpu.memory_space<vmem>> -> memref<128xi32, #tpu.memory_space<vmem>>
      %dma_start3A_797 = arith.constant 0 : i32
      %dma_start3A_798 = arith.constant 0 : i32
      %dma_start3A_799 = tpu.memref_slice %arg3[%dma_start3A_797, %dma_start3A_798] : memref<100001x128xf32, #tpu.memory_space<hbm>> -> memref<100001x128xf32, #tpu.memory_space<hbm>>
      %dma_start3A_800 = tpu.memref_slice %arg7[%dma_start3A_789] : memref<6x!tpu.dma_semaphore, #tpu.memory_space<semaphore_mem>> -> memref<1x!tpu.dma_semaphore, #tpu.memory_space<semaphore_mem>>
      %dma_start3A_801 = tpu.memref_squeeze %dma_start3A_800 : memref<1x!tpu.dma_semaphore, #tpu.memory_space<semaphore_mem>> -> memref<!tpu.dma_semaphore, #tpu.memory_space<semaphore_mem>>
      tpu.enqueue_indirect_dma source(%dma_start3A_799 : memref<100001x128xf32, #tpu.memory_space<hbm>>) target(%dma_start3A_793 : memref<128x128xf32, #tpu.memory_space<vmem>>) offsets(%dma_start3A_796 : memref<128xi32, #tpu.memory_space<vmem>>) semaphore(%dma_start3A_801 : memref<!tpu.dma_semaphore, #tpu.memory_space<semaphore_mem>>)
      %dma_wait3A_802 = arith.constant 0 : i32
      %dma_wait3A_803 = arith.constant 0 : i32
      %dma_wait3A_804 = arith.constant 0 : i32
      %dma_wait3A_805 = arith.constant 0 : i32
      %dma_wait3A_806 = arith.constant 0 : i32
      %dma_wait3A_807 = tpu.memref_slice %arg6[%dma_wait3A_803, %dma_wait3A_805, %dma_wait3A_806] : memref<6x128x128xf32, #tpu.memory_space<vmem>> -> memref<1x128x128xf32, #tpu.memory_space<vmem>>
      %dma_wait3A_808 = tpu.memref_squeeze %dma_wait3A_807 : memref<1x128x128xf32, #tpu.memory_space<vmem>> -> memref<128x128xf32, #tpu.memory_space<vmem>>
      %dma_wait3A_809 = arith.constant 0 : i32
      %dma_wait3A_810 = tpu.memref_slice %arg5[%dma_wait3A_802, %dma_wait3A_809] : memref<50x128xi32, #tpu.memory_space<vmem>> -> memref<1x128xi32, #tpu.memory_space<vmem>>
      %dma_wait3A_811 = tpu.memref_squeeze %dma_wait3A_810 : memref<1x128xi32, #tpu.memory_space<vmem>> -> memref<128xi32, #tpu.memory_space<vmem>>
      %dma_wait3A_812 = arith.constant 0 : i32
      %dma_wait3A_813 = arith.constant 0 : i32
      %dma_wait3A_814 = tpu.memref_slice %arg3[%dma_wait3A_812, %dma_wait3A_813] : memref<100001x128xf32, #tpu.memory_space<hbm>> -> memref<100001x128xf32, #tpu.memory_space<hbm>>
      %dma_wait3A_815 = tpu.memref_slice %arg7[%dma_wait3A_804] : memref<6x!tpu.dma_semaphore, #tpu.memory_space<semaphore_mem>> -> memref<1x!tpu.dma_semaphore, #tpu.memory_space<semaphore_mem>>
      %dma_wait3A_816 = tpu.memref_squeeze %dma_wait3A_815 : memref<1x!tpu.dma_semaphore, #tpu.memory_space<semaphore_mem>> -> memref<!tpu.dma_semaphore, #tpu.memory_space<semaphore_mem>>
      tpu.wait_indirect_dma semaphore(%dma_wait3A_816 : memref<!tpu.dma_semaphore, #tpu.memory_space<semaphore_mem>>) src(%dma_wait3A_814 : memref<100001x128xf32, #tpu.memory_space<hbm>>) dst(%dma_wait3A_808 : memref<128x128xf32, #tpu.memory_space<vmem>>)
      %dma_start3A_817 = arith.constant 0 : i32
      %dma_start3A_818 = arith.constant 0 : i32
      %dma_start3A_819 = arith.constant 0 : i32
      %dma_start3A_820 = arith.constant 0 : i32
      %dma_start3A_821 = tpu.memref_slice %arg6[%dma_start3A_817, %dma_start3A_819, %dma_start3A_820] : memref<6x128x128xf32, #tpu.memory_space<vmem>> -> memref<1x128x128xf32, #tpu.memory_space<vmem>>
      %dma_start3A_822 = tpu.memref_squeeze %dma_start3A_821 : memref<1x128x128xf32, #tpu.memory_space<vmem>> -> memref<128x128xf32, #tpu.memory_space<vmem>>
      %dma_start3A_823 = arith.constant 0 : i32
      %dma_start3A_824 = tpu.memref_slice %arg4[%add3A_766, %mul3A_2, %dma_start3A_823] : memref<50x4096x128xf32, #tpu.memory_space<hbm>> -> memref<1x128x128xf32, #tpu.memory_space<hbm>>
      %dma_start3A_825 = tpu.memref_squeeze %dma_start3A_824 : memref<1x128x128xf32, #tpu.memory_space<hbm>> -> memref<128x128xf32, #tpu.memory_space<hbm>>
      %dma_start3A_826 = tpu.memref_slice %arg8[%dma_start3A_818] : memref<6x!tpu.dma_semaphore, #tpu.memory_space<semaphore_mem>> -> memref<1x!tpu.dma_semaphore, #tpu.memory_space<semaphore_mem>>
      %dma_start3A_827 = tpu.memref_squeeze %dma_start3A_826 : memref<1x!tpu.dma_semaphore, #tpu.memory_space<semaphore_mem>> -> memref<!tpu.dma_semaphore, #tpu.memory_space<semaphore_mem>>
      %dma_start3A_828 = arith.constant 0 : i32
      %dma_start3A_829 = tpu.memref_slice %arg4[%add3A_766, %mul3A_2, %dma_start3A_828] : memref<50x4096x128xf32, #tpu.memory_space<hbm>> -> memref<1x128x128xf32, #tpu.memory_space<hbm>>
      %dma_start3A_830 = tpu.memref_squeeze %dma_start3A_829 : memref<1x128x128xf32, #tpu.memory_space<hbm>> -> memref<128x128xf32, #tpu.memory_space<hbm>>
      %dma_start3A_831 = arith.constant 0 : i32
      %dma_start3A_832 = arith.constant 0 : i32
      %dma_start3A_833 = tpu.memref_slice %arg6[%dma_start3A_817, %dma_start3A_831, %dma_start3A_832] : memref<6x128x128xf32, #tpu.memory_space<vmem>> -> memref<1x128x128xf32, #tpu.memory_space<vmem>>
      %dma_start3A_834 = tpu.memref_squeeze %dma_start3A_833 : memref<1x128x128xf32, #tpu.memory_space<vmem>> -> memref<128x128xf32, #tpu.memory_space<vmem>>
      tpu.enqueue_dma source(%dma_start3A_834 : memref<128x128xf32, #tpu.memory_space<vmem>>) target(%dma_start3A_830 : memref<128x128xf32, #tpu.memory_space<hbm>>) target_semaphore(%dma_start3A_827 : memref<!tpu.dma_semaphore, #tpu.memory_space<semaphore_mem>>)
      %add3A_835 = arith.constant 4 : i32
      %add3A_836 = arith.addi %add3A_554, %add3A_835 : i32
      %dma_wait3A_837 = arith.constant 4 : i32
      %dma_wait3A_838 = arith.constant 0 : i32
      %dma_wait3A_839 = arith.constant 4 : i32
      %dma_wait3A_840 = arith.constant 0 : i32
      %dma_wait3A_841 = arith.constant 0 : i32
      %dma_wait3A_842 = tpu.memref_slice %arg6[%dma_wait3A_837, %dma_wait3A_840, %dma_wait3A_841] : memref<6x128x128xf32, #tpu.memory_space<vmem>> -> memref<1x128x128xf32, #tpu.memory_space<vmem>>
      %dma_wait3A_843 = tpu.memref_squeeze %dma_wait3A_842 : memref<1x128x128xf32, #tpu.memory_space<vmem>> -> memref<128x128xf32, #tpu.memory_space<vmem>>
      %dma_wait3A_844 = arith.constant 0 : i32
      %dma_wait3A_845 = tpu.memref_slice %arg4[%dma_wait3A_838, %mul3A_2, %dma_wait3A_844] : memref<50x4096x128xf32, #tpu.memory_space<hbm>> -> memref<1x128x128xf32, #tpu.memory_space<hbm>>
      %dma_wait3A_846 = tpu.memref_squeeze %dma_wait3A_845 : memref<1x128x128xf32, #tpu.memory_space<hbm>> -> memref<128x128xf32, #tpu.memory_space<hbm>>
      %dma_wait3A_847 = tpu.memref_slice %arg8[%dma_wait3A_839] : memref<6x!tpu.dma_semaphore, #tpu.memory_space<semaphore_mem>> -> memref<1x!tpu.dma_semaphore, #tpu.memory_space<semaphore_mem>>
      %dma_wait3A_848 = tpu.memref_squeeze %dma_wait3A_847 : memref<1x!tpu.dma_semaphore, #tpu.memory_space<semaphore_mem>> -> memref<!tpu.dma_semaphore, #tpu.memory_space<semaphore_mem>>
      %dma_wait3A_849 = arith.constant 0 : i32
      %dma_wait3A_850 = tpu.memref_slice %arg4[%dma_wait3A_838, %mul3A_2, %dma_wait3A_849] : memref<50x4096x128xf32, #tpu.memory_space<hbm>> -> memref<1x128x128xf32, #tpu.memory_space<hbm>>
      %dma_wait3A_851 = tpu.memref_squeeze %dma_wait3A_850 : memref<1x128x128xf32, #tpu.memory_space<hbm>> -> memref<128x128xf32, #tpu.memory_space<hbm>>
      %dma_wait3A_852 = arith.constant 0 : i32
      %dma_wait3A_853 = arith.constant 0 : i32
      %dma_wait3A_854 = tpu.memref_slice %arg6[%dma_wait3A_837, %dma_wait3A_852, %dma_wait3A_853] : memref<6x128x128xf32, #tpu.memory_space<vmem>> -> memref<1x128x128xf32, #tpu.memory_space<vmem>>
      %dma_wait3A_855 = tpu.memref_squeeze %dma_wait3A_854 : memref<1x128x128xf32, #tpu.memory_space<vmem>> -> memref<128x128xf32, #tpu.memory_space<vmem>>
      tpu.wait_dma2 semaphore(%dma_wait3A_848 : memref<!tpu.dma_semaphore, #tpu.memory_space<semaphore_mem>>) src(%dma_wait3A_855 : memref<128x128xf32, #tpu.memory_space<vmem>>) dst(%dma_wait3A_851 : memref<128x128xf32, #tpu.memory_space<hbm>>)
      %add3A_856 = arith.constant 3 : i32
      %add3A_857 = arith.addi %add3A_836, %add3A_856 : i32
      %dma_start3A_858 = arith.constant 4 : i32
      %dma_start3A_859 = arith.constant 4 : i32
      %dma_start3A_860 = arith.constant 0 : i32
      %dma_start3A_861 = arith.constant 0 : i32
      %dma_start3A_862 = tpu.memref_slice %arg6[%dma_start3A_858, %dma_start3A_860, %dma_start3A_861] : memref<6x128x128xf32, #tpu.memory_space<vmem>> -> memref<1x128x128xf32, #tpu.memory_space<vmem>>
      %dma_start3A_863 = tpu.memref_squeeze %dma_start3A_862 : memref<1x128x128xf32, #tpu.memory_space<vmem>> -> memref<128x128xf32, #tpu.memory_space<vmem>>
      %dma_start3A_864 = arith.constant 0 : i32
      %dma_start3A_865 = tpu.memref_slice %arg5[%add3A_857, %dma_start3A_864] : memref<50x128xi32, #tpu.memory_space<vmem>> -> memref<1x128xi32, #tpu.memory_space<vmem>>
      %dma_start3A_866 = tpu.memref_squeeze %dma_start3A_865 : memref<1x128xi32, #tpu.memory_space<vmem>> -> memref<128xi32, #tpu.memory_space<vmem>>
      %dma_start3A_867 = arith.constant 0 : i32
      %dma_start3A_868 = arith.constant 0 : i32
      %dma_start3A_869 = tpu.memref_slice %arg3[%dma_start3A_867, %dma_start3A_868] : memref<100001x128xf32, #tpu.memory_space<hbm>> -> memref<100001x128xf32, #tpu.memory_space<hbm>>
      %dma_start3A_870 = tpu.memref_slice %arg7[%dma_start3A_859] : memref<6x!tpu.dma_semaphore, #tpu.memory_space<semaphore_mem>> -> memref<1x!tpu.dma_semaphore, #tpu.memory_space<semaphore_mem>>
      %dma_start3A_871 = tpu.memref_squeeze %dma_start3A_870 : memref<1x!tpu.dma_semaphore, #tpu.memory_space<semaphore_mem>> -> memref<!tpu.dma_semaphore, #tpu.memory_space<semaphore_mem>>
      tpu.enqueue_indirect_dma source(%dma_start3A_869 : memref<100001x128xf32, #tpu.memory_space<hbm>>) target(%dma_start3A_863 : memref<128x128xf32, #tpu.memory_space<vmem>>) offsets(%dma_start3A_866 : memref<128xi32, #tpu.memory_space<vmem>>) semaphore(%dma_start3A_871 : memref<!tpu.dma_semaphore, #tpu.memory_space<semaphore_mem>>)
      %dma_wait3A_872 = arith.constant 0 : i32
      %dma_wait3A_873 = arith.constant 1 : i32
      %dma_wait3A_874 = arith.constant 1 : i32
      %dma_wait3A_875 = arith.constant 0 : i32
      %dma_wait3A_876 = arith.constant 0 : i32
      %dma_wait3A_877 = tpu.memref_slice %arg6[%dma_wait3A_873, %dma_wait3A_875, %dma_wait3A_876] : memref<6x128x128xf32, #tpu.memory_space<vmem>> -> memref<1x128x128xf32, #tpu.memory_space<vmem>>
      %dma_wait3A_878 = tpu.memref_squeeze %dma_wait3A_877 : memref<1x128x128xf32, #tpu.memory_space<vmem>> -> memref<128x128xf32, #tpu.memory_space<vmem>>
      %dma_wait3A_879 = arith.constant 0 : i32
      %dma_wait3A_880 = tpu.memref_slice %arg5[%dma_wait3A_872, %dma_wait3A_879] : memref<50x128xi32, #tpu.memory_space<vmem>> -> memref<1x128xi32, #tpu.memory_space<vmem>>
      %dma_wait3A_881 = tpu.memref_squeeze %dma_wait3A_880 : memref<1x128xi32, #tpu.memory_space<vmem>> -> memref<128xi32, #tpu.memory_space<vmem>>
      %dma_wait3A_882 = arith.constant 0 : i32
      %dma_wait3A_883 = arith.constant 0 : i32
      %dma_wait3A_884 = tpu.memref_slice %arg3[%dma_wait3A_882, %dma_wait3A_883] : memref<100001x128xf32, #tpu.memory_space<hbm>> -> memref<100001x128xf32, #tpu.memory_space<hbm>>
      %dma_wait3A_885 = tpu.memref_slice %arg7[%dma_wait3A_874] : memref<6x!tpu.dma_semaphore, #tpu.memory_space<semaphore_mem>> -> memref<1x!tpu.dma_semaphore, #tpu.memory_space<semaphore_mem>>
      %dma_wait3A_886 = tpu.memref_squeeze %dma_wait3A_885 : memref<1x!tpu.dma_semaphore, #tpu.memory_space<semaphore_mem>> -> memref<!tpu.dma_semaphore, #tpu.memory_space<semaphore_mem>>
      tpu.wait_indirect_dma semaphore(%dma_wait3A_886 : memref<!tpu.dma_semaphore, #tpu.memory_space<semaphore_mem>>) src(%dma_wait3A_884 : memref<100001x128xf32, #tpu.memory_space<hbm>>) dst(%dma_wait3A_878 : memref<128x128xf32, #tpu.memory_space<vmem>>)
      %dma_start3A_887 = arith.constant 1 : i32
      %dma_start3A_888 = arith.constant 1 : i32
      %dma_start3A_889 = arith.constant 0 : i32
      %dma_start3A_890 = arith.constant 0 : i32
      %dma_start3A_891 = tpu.memref_slice %arg6[%dma_start3A_887, %dma_start3A_889, %dma_start3A_890] : memref<6x128x128xf32, #tpu.memory_space<vmem>> -> memref<1x128x128xf32, #tpu.memory_space<vmem>>
      %dma_start3A_892 = tpu.memref_squeeze %dma_start3A_891 : memref<1x128x128xf32, #tpu.memory_space<vmem>> -> memref<128x128xf32, #tpu.memory_space<vmem>>
      %dma_start3A_893 = arith.constant 0 : i32
      %dma_start3A_894 = tpu.memref_slice %arg4[%add3A_836, %mul3A_2, %dma_start3A_893] : memref<50x4096x128xf32, #tpu.memory_space<hbm>> -> memref<1x128x128xf32, #tpu.memory_space<hbm>>
      %dma_start3A_895 = tpu.memref_squeeze %dma_start3A_894 : memref<1x128x128xf32, #tpu.memory_space<hbm>> -> memref<128x128xf32, #tpu.memory_space<hbm>>
      %dma_start3A_896 = tpu.memref_slice %arg8[%dma_start3A_888] : memref<6x!tpu.dma_semaphore, #tpu.memory_space<semaphore_mem>> -> memref<1x!tpu.dma_semaphore, #tpu.memory_space<semaphore_mem>>
      %dma_start3A_897 = tpu.memref_squeeze %dma_start3A_896 : memref<1x!tpu.dma_semaphore, #tpu.memory_space<semaphore_mem>> -> memref<!tpu.dma_semaphore, #tpu.memory_space<semaphore_mem>>
      %dma_start3A_898 = arith.constant 0 : i32
      %dma_start3A_899 = tpu.memref_slice %arg4[%add3A_836, %mul3A_2, %dma_start3A_898] : memref<50x4096x128xf32, #tpu.memory_space<hbm>> -> memref<1x128x128xf32, #tpu.memory_space<hbm>>
      %dma_start3A_900 = tpu.memref_squeeze %dma_start3A_899 : memref<1x128x128xf32, #tpu.memory_space<hbm>> -> memref<128x128xf32, #tpu.memory_space<hbm>>
      %dma_start3A_901 = arith.constant 0 : i32
      %dma_start3A_902 = arith.constant 0 : i32
      %dma_start3A_903 = tpu.memref_slice %arg6[%dma_start3A_887, %dma_start3A_901, %dma_start3A_902] : memref<6x128x128xf32, #tpu.memory_space<vmem>> -> memref<1x128x128xf32, #tpu.memory_space<vmem>>
      %dma_start3A_904 = tpu.memref_squeeze %dma_start3A_903 : memref<1x128x128xf32, #tpu.memory_space<vmem>> -> memref<128x128xf32, #tpu.memory_space<vmem>>
      tpu.enqueue_dma source(%dma_start3A_904 : memref<128x128xf32, #tpu.memory_space<vmem>>) target(%dma_start3A_900 : memref<128x128xf32, #tpu.memory_space<hbm>>) target_semaphore(%dma_start3A_897 : memref<!tpu.dma_semaphore, #tpu.memory_space<semaphore_mem>>)
      %add3A_905 = arith.constant 5 : i32
      %add3A_906 = arith.addi %add3A_554, %add3A_905 : i32
      %dma_wait3A_907 = arith.constant 5 : i32
      %dma_wait3A_908 = arith.constant 0 : i32
      %dma_wait3A_909 = arith.constant 5 : i32
      %dma_wait3A_910 = arith.constant 0 : i32
      %dma_wait3A_911 = arith.constant 0 : i32
      %dma_wait3A_912 = tpu.memref_slice %arg6[%dma_wait3A_907, %dma_wait3A_910, %dma_wait3A_911] : memref<6x128x128xf32, #tpu.memory_space<vmem>> -> memref<1x128x128xf32, #tpu.memory_space<vmem>>
      %dma_wait3A_913 = tpu.memref_squeeze %dma_wait3A_912 : memref<1x128x128xf32, #tpu.memory_space<vmem>> -> memref<128x128xf32, #tpu.memory_space<vmem>>
      %dma_wait3A_914 = arith.constant 0 : i32
      %dma_wait3A_915 = tpu.memref_slice %arg4[%dma_wait3A_908, %mul3A_2, %dma_wait3A_914] : memref<50x4096x128xf32, #tpu.memory_space<hbm>> -> memref<1x128x128xf32, #tpu.memory_space<hbm>>
      %dma_wait3A_916 = tpu.memref_squeeze %dma_wait3A_915 : memref<1x128x128xf32, #tpu.memory_space<hbm>> -> memref<128x128xf32, #tpu.memory_space<hbm>>
      %dma_wait3A_917 = tpu.memref_slice %arg8[%dma_wait3A_909] : memref<6x!tpu.dma_semaphore, #tpu.memory_space<semaphore_mem>> -> memref<1x!tpu.dma_semaphore, #tpu.memory_space<semaphore_mem>>
      %dma_wait3A_918 = tpu.memref_squeeze %dma_wait3A_917 : memref<1x!tpu.dma_semaphore, #tpu.memory_space<semaphore_mem>> -> memref<!tpu.dma_semaphore, #tpu.memory_space<semaphore_mem>>
      %dma_wait3A_919 = arith.constant 0 : i32
      %dma_wait3A_920 = tpu.memref_slice %arg4[%dma_wait3A_908, %mul3A_2, %dma_wait3A_919] : memref<50x4096x128xf32, #tpu.memory_space<hbm>> -> memref<1x128x128xf32, #tpu.memory_space<hbm>>
      %dma_wait3A_921 = tpu.memref_squeeze %dma_wait3A_920 : memref<1x128x128xf32, #tpu.memory_space<hbm>> -> memref<128x128xf32, #tpu.memory_space<hbm>>
      %dma_wait3A_922 = arith.constant 0 : i32
      %dma_wait3A_923 = arith.constant 0 : i32
      %dma_wait3A_924 = tpu.memref_slice %arg6[%dma_wait3A_907, %dma_wait3A_922, %dma_wait3A_923] : memref<6x128x128xf32, #tpu.memory_space<vmem>> -> memref<1x128x128xf32, #tpu.memory_space<vmem>>
      %dma_wait3A_925 = tpu.memref_squeeze %dma_wait3A_924 : memref<1x128x128xf32, #tpu.memory_space<vmem>> -> memref<128x128xf32, #tpu.memory_space<vmem>>
      tpu.wait_dma2 semaphore(%dma_wait3A_918 : memref<!tpu.dma_semaphore, #tpu.memory_space<semaphore_mem>>) src(%dma_wait3A_925 : memref<128x128xf32, #tpu.memory_space<vmem>>) dst(%dma_wait3A_921 : memref<128x128xf32, #tpu.memory_space<hbm>>)
      %add3A_926 = arith.constant 3 : i32
      %add3A_927 = arith.addi %add3A_906, %add3A_926 : i32
      %dma_start3A_928 = arith.constant 5 : i32
      %dma_start3A_929 = arith.constant 5 : i32
      %dma_start3A_930 = arith.constant 0 : i32
      %dma_start3A_931 = arith.constant 0 : i32
      %dma_start3A_932 = tpu.memref_slice %arg6[%dma_start3A_928, %dma_start3A_930, %dma_start3A_931] : memref<6x128x128xf32, #tpu.memory_space<vmem>> -> memref<1x128x128xf32, #tpu.memory_space<vmem>>
      %dma_start3A_933 = tpu.memref_squeeze %dma_start3A_932 : memref<1x128x128xf32, #tpu.memory_space<vmem>> -> memref<128x128xf32, #tpu.memory_space<vmem>>
      %dma_start3A_934 = arith.constant 0 : i32
      %dma_start3A_935 = tpu.memref_slice %arg5[%add3A_927, %dma_start3A_934] : memref<50x128xi32, #tpu.memory_space<vmem>> -> memref<1x128xi32, #tpu.memory_space<vmem>>
      %dma_start3A_936 = tpu.memref_squeeze %dma_start3A_935 : memref<1x128xi32, #tpu.memory_space<vmem>> -> memref<128xi32, #tpu.memory_space<vmem>>
      %dma_start3A_937 = arith.constant 0 : i32
      %dma_start3A_938 = arith.constant 0 : i32
      %dma_start3A_939 = tpu.memref_slice %arg3[%dma_start3A_937, %dma_start3A_938] : memref<100001x128xf32, #tpu.memory_space<hbm>> -> memref<100001x128xf32, #tpu.memory_space<hbm>>
      %dma_start3A_940 = tpu.memref_slice %arg7[%dma_start3A_929] : memref<6x!tpu.dma_semaphore, #tpu.memory_space<semaphore_mem>> -> memref<1x!tpu.dma_semaphore, #tpu.memory_space<semaphore_mem>>
      %dma_start3A_941 = tpu.memref_squeeze %dma_start3A_940 : memref<1x!tpu.dma_semaphore, #tpu.memory_space<semaphore_mem>> -> memref<!tpu.dma_semaphore, #tpu.memory_space<semaphore_mem>>
      tpu.enqueue_indirect_dma source(%dma_start3A_939 : memref<100001x128xf32, #tpu.memory_space<hbm>>) target(%dma_start3A_933 : memref<128x128xf32, #tpu.memory_space<vmem>>) offsets(%dma_start3A_936 : memref<128xi32, #tpu.memory_space<vmem>>) semaphore(%dma_start3A_941 : memref<!tpu.dma_semaphore, #tpu.memory_space<semaphore_mem>>)
      %dma_wait3A_942 = arith.constant 0 : i32
      %dma_wait3A_943 = arith.constant 2 : i32
      %dma_wait3A_944 = arith.constant 2 : i32
      %dma_wait3A_945 = arith.constant 0 : i32
      %dma_wait3A_946 = arith.constant 0 : i32
      %dma_wait3A_947 = tpu.memref_slice %arg6[%dma_wait3A_943, %dma_wait3A_945, %dma_wait3A_946] : memref<6x128x128xf32, #tpu.memory_space<vmem>> -> memref<1x128x128xf32, #tpu.memory_space<vmem>>
      %dma_wait3A_948 = tpu.memref_squeeze %dma_wait3A_947 : memref<1x128x128xf32, #tpu.memory_space<vmem>> -> memref<128x128xf32, #tpu.memory_space<vmem>>
      %dma_wait3A_949 = arith.constant 0 : i32
      %dma_wait3A_950 = tpu.memref_slice %arg5[%dma_wait3A_942, %dma_wait3A_949] : memref<50x128xi32, #tpu.memory_space<vmem>> -> memref<1x128xi32, #tpu.memory_space<vmem>>
      %dma_wait3A_951 = tpu.memref_squeeze %dma_wait3A_950 : memref<1x128xi32, #tpu.memory_space<vmem>> -> memref<128xi32, #tpu.memory_space<vmem>>
      %dma_wait3A_952 = arith.constant 0 : i32
      %dma_wait3A_953 = arith.constant 0 : i32
      %dma_wait3A_954 = tpu.memref_slice %arg3[%dma_wait3A_952, %dma_wait3A_953] : memref<100001x128xf32, #tpu.memory_space<hbm>> -> memref<100001x128xf32, #tpu.memory_space<hbm>>
      %dma_wait3A_955 = tpu.memref_slice %arg7[%dma_wait3A_944] : memref<6x!tpu.dma_semaphore, #tpu.memory_space<semaphore_mem>> -> memref<1x!tpu.dma_semaphore, #tpu.memory_space<semaphore_mem>>
      %dma_wait3A_956 = tpu.memref_squeeze %dma_wait3A_955 : memref<1x!tpu.dma_semaphore, #tpu.memory_space<semaphore_mem>> -> memref<!tpu.dma_semaphore, #tpu.memory_space<semaphore_mem>>
      tpu.wait_indirect_dma semaphore(%dma_wait3A_956 : memref<!tpu.dma_semaphore, #tpu.memory_space<semaphore_mem>>) src(%dma_wait3A_954 : memref<100001x128xf32, #tpu.memory_space<hbm>>) dst(%dma_wait3A_948 : memref<128x128xf32, #tpu.memory_space<vmem>>)
      %dma_start3A_957 = arith.constant 2 : i32
      %dma_start3A_958 = arith.constant 2 : i32
      %dma_start3A_959 = arith.constant 0 : i32
      %dma_start3A_960 = arith.constant 0 : i32
      %dma_start3A_961 = tpu.memref_slice %arg6[%dma_start3A_957, %dma_start3A_959, %dma_start3A_960] : memref<6x128x128xf32, #tpu.memory_space<vmem>> -> memref<1x128x128xf32, #tpu.memory_space<vmem>>
      %dma_start3A_962 = tpu.memref_squeeze %dma_start3A_961 : memref<1x128x128xf32, #tpu.memory_space<vmem>> -> memref<128x128xf32, #tpu.memory_space<vmem>>
      %dma_start3A_963 = arith.constant 0 : i32
      %dma_start3A_964 = tpu.memref_slice %arg4[%add3A_906, %mul3A_2, %dma_start3A_963] : memref<50x4096x128xf32, #tpu.memory_space<hbm>> -> memref<1x128x128xf32, #tpu.memory_space<hbm>>
      %dma_start3A_965 = tpu.memref_squeeze %dma_start3A_964 : memref<1x128x128xf32, #tpu.memory_space<hbm>> -> memref<128x128xf32, #tpu.memory_space<hbm>>
      %dma_start3A_966 = tpu.memref_slice %arg8[%dma_start3A_958] : memref<6x!tpu.dma_semaphore, #tpu.memory_space<semaphore_mem>> -> memref<1x!tpu.dma_semaphore, #tpu.memory_space<semaphore_mem>>
      %dma_start3A_967 = tpu.memref_squeeze %dma_start3A_966 : memref<1x!tpu.dma_semaphore, #tpu.memory_space<semaphore_mem>> -> memref<!tpu.dma_semaphore, #tpu.memory_space<semaphore_mem>>
      %dma_start3A_968 = arith.constant 0 : i32
      %dma_start3A_969 = tpu.memref_slice %arg4[%add3A_906, %mul3A_2, %dma_start3A_968] : memref<50x4096x128xf32, #tpu.memory_space<hbm>> -> memref<1x128x128xf32, #tpu.memory_space<hbm>>
      %dma_start3A_970 = tpu.memref_squeeze %dma_start3A_969 : memref<1x128x128xf32, #tpu.memory_space<hbm>> -> memref<128x128xf32, #tpu.memory_space<hbm>>
      %dma_start3A_971 = arith.constant 0 : i32
      %dma_start3A_972 = arith.constant 0 : i32
      %dma_start3A_973 = tpu.memref_slice %arg6[%dma_start3A_957, %dma_start3A_971, %dma_start3A_972] : memref<6x128x128xf32, #tpu.memory_space<vmem>> -> memref<1x128x128xf32, #tpu.memory_space<vmem>>
      %dma_start3A_974 = tpu.memref_squeeze %dma_start3A_973 : memref<1x128x128xf32, #tpu.memory_space<vmem>> -> memref<128x128xf32, #tpu.memory_space<vmem>>
      tpu.enqueue_dma source(%dma_start3A_974 : memref<128x128xf32, #tpu.memory_space<vmem>>) target(%dma_start3A_970 : memref<128x128xf32, #tpu.memory_space<hbm>>) target_semaphore(%dma_start3A_967 : memref<!tpu.dma_semaphore, #tpu.memory_space<semaphore_mem>>)
    }
    %scan3A_197 = arith.constant 7 : i32
    %dma_wait3A_198 = arith.constant 0 : i32
    %dma_wait3A_199 = arith.constant 0 : i32
    %dma_wait3A_200 = arith.constant 0 : i32
    %dma_wait3A_201 = arith.constant 0 : i32
    %dma_wait3A_202 = arith.constant 0 : i32
    %dma_wait3A_203 = tpu.memref_slice %arg6[%dma_wait3A_198, %dma_wait3A_201, %dma_wait3A_202] : memref<6x128x128xf32, #tpu.memory_space<vmem>> -> memref<1x128x128xf32, #tpu.memory_space<vmem>>
    %dma_wait3A_204 = tpu.memref_squeeze %dma_wait3A_203 : memref<1x128x128xf32, #tpu.memory_space<vmem>> -> memref<128x128xf32, #tpu.memory_space<vmem>>
    %dma_wait3A_205 = arith.constant 0 : i32
    %dma_wait3A_206 = tpu.memref_slice %arg4[%dma_wait3A_199, %mul3A_2, %dma_wait3A_205] : memref<50x4096x128xf32, #tpu.memory_space<hbm>> -> memref<1x128x128xf32, #tpu.memory_space<hbm>>
    %dma_wait3A_207 = tpu.memref_squeeze %dma_wait3A_206 : memref<1x128x128xf32, #tpu.memory_space<hbm>> -> memref<128x128xf32, #tpu.memory_space<hbm>>
    %dma_wait3A_208 = tpu.memref_slice %arg8[%dma_wait3A_200] : memref<6x!tpu.dma_semaphore, #tpu.memory_space<semaphore_mem>> -> memref<1x!tpu.dma_semaphore, #tpu.memory_space<semaphore_mem>>
    %dma_wait3A_209 = tpu.memref_squeeze %dma_wait3A_208 : memref<1x!tpu.dma_semaphore, #tpu.memory_space<semaphore_mem>> -> memref<!tpu.dma_semaphore, #tpu.memory_space<semaphore_mem>>
    %dma_wait3A_210 = arith.constant 0 : i32
    %dma_wait3A_211 = tpu.memref_slice %arg4[%dma_wait3A_199, %mul3A_2, %dma_wait3A_210] : memref<50x4096x128xf32, #tpu.memory_space<hbm>> -> memref<1x128x128xf32, #tpu.memory_space<hbm>>
    %dma_wait3A_212 = tpu.memref_squeeze %dma_wait3A_211 : memref<1x128x128xf32, #tpu.memory_space<hbm>> -> memref<128x128xf32, #tpu.memory_space<hbm>>
    %dma_wait3A_213 = arith.constant 0 : i32
    %dma_wait3A_214 = arith.constant 0 : i32
    %dma_wait3A_215 = tpu.memref_slice %arg6[%dma_wait3A_198, %dma_wait3A_213, %dma_wait3A_214] : memref<6x128x128xf32, #tpu.memory_space<vmem>> -> memref<1x128x128xf32, #tpu.memory_space<vmem>>
    %dma_wait3A_216 = tpu.memref_squeeze %dma_wait3A_215 : memref<1x128x128xf32, #tpu.memory_space<vmem>> -> memref<128x128xf32, #tpu.memory_space<vmem>>
    tpu.wait_dma2 semaphore(%dma_wait3A_209 : memref<!tpu.dma_semaphore, #tpu.memory_space<semaphore_mem>>) src(%dma_wait3A_216 : memref<128x128xf32, #tpu.memory_space<vmem>>) dst(%dma_wait3A_212 : memref<128x128xf32, #tpu.memory_space<hbm>>)
    %dma_start3A_217 = arith.constant 48 : i32
    %dma_start3A_218 = arith.constant 0 : i32
    %dma_start3A_219 = arith.constant 0 : i32
    %dma_start3A_220 = arith.constant 0 : i32
    %dma_start3A_221 = arith.constant 0 : i32
    %dma_start3A_222 = tpu.memref_slice %arg6[%dma_start3A_218, %dma_start3A_220, %dma_start3A_221] : memref<6x128x128xf32, #tpu.memory_space<vmem>> -> memref<1x128x128xf32, #tpu.memory_space<vmem>>
    %dma_start3A_223 = tpu.memref_squeeze %dma_start3A_222 : memref<1x128x128xf32, #tpu.memory_space<vmem>> -> memref<128x128xf32, #tpu.memory_space<vmem>>
    %dma_start3A_224 = arith.constant 0 : i32
    %dma_start3A_225 = tpu.memref_slice %arg5[%dma_start3A_217, %dma_start3A_224] : memref<50x128xi32, #tpu.memory_space<vmem>> -> memref<1x128xi32, #tpu.memory_space<vmem>>
    %dma_start3A_226 = tpu.memref_squeeze %dma_start3A_225 : memref<1x128xi32, #tpu.memory_space<vmem>> -> memref<128xi32, #tpu.memory_space<vmem>>
    %dma_start3A_227 = arith.constant 0 : i32
    %dma_start3A_228 = arith.constant 0 : i32
    %dma_start3A_229 = tpu.memref_slice %arg3[%dma_start3A_227, %dma_start3A_228] : memref<100001x128xf32, #tpu.memory_space<hbm>> -> memref<100001x128xf32, #tpu.memory_space<hbm>>
    %dma_start3A_230 = tpu.memref_slice %arg7[%dma_start3A_219] : memref<6x!tpu.dma_semaphore, #tpu.memory_space<semaphore_mem>> -> memref<1x!tpu.dma_semaphore, #tpu.memory_space<semaphore_mem>>
    %dma_start3A_231 = tpu.memref_squeeze %dma_start3A_230 : memref<1x!tpu.dma_semaphore, #tpu.memory_space<semaphore_mem>> -> memref<!tpu.dma_semaphore, #tpu.memory_space<semaphore_mem>>
    tpu.enqueue_indirect_dma source(%dma_start3A_229 : memref<100001x128xf32, #tpu.memory_space<hbm>>) target(%dma_start3A_223 : memref<128x128xf32, #tpu.memory_space<vmem>>) offsets(%dma_start3A_226 : memref<128xi32, #tpu.memory_space<vmem>>) semaphore(%dma_start3A_231 : memref<!tpu.dma_semaphore, #tpu.memory_space<semaphore_mem>>)
    %dma_wait3A_232 = arith.constant 0 : i32
    %dma_wait3A_233 = arith.constant 3 : i32
    %dma_wait3A_234 = arith.constant 3 : i32
    %dma_wait3A_235 = arith.constant 0 : i32
    %dma_wait3A_236 = arith.constant 0 : i32
    %dma_wait3A_237 = tpu.memref_slice %arg6[%dma_wait3A_233, %dma_wait3A_235, %dma_wait3A_236] : memref<6x128x128xf32, #tpu.memory_space<vmem>> -> memref<1x128x128xf32, #tpu.memory_space<vmem>>
    %dma_wait3A_238 = tpu.memref_squeeze %dma_wait3A_237 : memref<1x128x128xf32, #tpu.memory_space<vmem>> -> memref<128x128xf32, #tpu.memory_space<vmem>>
    %dma_wait3A_239 = arith.constant 0 : i32
    %dma_wait3A_240 = tpu.memref_slice %arg5[%dma_wait3A_232, %dma_wait3A_239] : memref<50x128xi32, #tpu.memory_space<vmem>> -> memref<1x128xi32, #tpu.memory_space<vmem>>
    %dma_wait3A_241 = tpu.memref_squeeze %dma_wait3A_240 : memref<1x128xi32, #tpu.memory_space<vmem>> -> memref<128xi32, #tpu.memory_space<vmem>>
    %dma_wait3A_242 = arith.constant 0 : i32
    %dma_wait3A_243 = arith.constant 0 : i32
    %dma_wait3A_244 = tpu.memref_slice %arg3[%dma_wait3A_242, %dma_wait3A_243] : memref<100001x128xf32, #tpu.memory_space<hbm>> -> memref<100001x128xf32, #tpu.memory_space<hbm>>
    %dma_wait3A_245 = tpu.memref_slice %arg7[%dma_wait3A_234] : memref<6x!tpu.dma_semaphore, #tpu.memory_space<semaphore_mem>> -> memref<1x!tpu.dma_semaphore, #tpu.memory_space<semaphore_mem>>
    %dma_wait3A_246 = tpu.memref_squeeze %dma_wait3A_245 : memref<1x!tpu.dma_semaphore, #tpu.memory_space<semaphore_mem>> -> memref<!tpu.dma_semaphore, #tpu.memory_space<semaphore_mem>>
    tpu.wait_indirect_dma semaphore(%dma_wait3A_246 : memref<!tpu.dma_semaphore, #tpu.memory_space<semaphore_mem>>) src(%dma_wait3A_244 : memref<100001x128xf32, #tpu.memory_space<hbm>>) dst(%dma_wait3A_238 : memref<128x128xf32, #tpu.memory_space<vmem>>)
    %dma_start3A_247 = arith.constant 3 : i32
    %dma_start3A_248 = arith.constant 45 : i32
    %dma_start3A_249 = arith.constant 3 : i32
    %dma_start3A_250 = arith.constant 0 : i32
    %dma_start3A_251 = arith.constant 0 : i32
    %dma_start3A_252 = tpu.memref_slice %arg6[%dma_start3A_247, %dma_start3A_250, %dma_start3A_251] : memref<6x128x128xf32, #tpu.memory_space<vmem>> -> memref<1x128x128xf32, #tpu.memory_space<vmem>>
    %dma_start3A_253 = tpu.memref_squeeze %dma_start3A_252 : memref<1x128x128xf32, #tpu.memory_space<vmem>> -> memref<128x128xf32, #tpu.memory_space<vmem>>
    %dma_start3A_254 = arith.constant 0 : i32
    %dma_start3A_255 = tpu.memref_slice %arg4[%dma_start3A_248, %mul3A_2, %dma_start3A_254] : memref<50x4096x128xf32, #tpu.memory_space<hbm>> -> memref<1x128x128xf32, #tpu.memory_space<hbm>>
    %dma_start3A_256 = tpu.memref_squeeze %dma_start3A_255 : memref<1x128x128xf32, #tpu.memory_space<hbm>> -> memref<128x128xf32, #tpu.memory_space<hbm>>
    %dma_start3A_257 = tpu.memref_slice %arg8[%dma_start3A_249] : memref<6x!tpu.dma_semaphore, #tpu.memory_space<semaphore_mem>> -> memref<1x!tpu.dma_semaphore, #tpu.memory_space<semaphore_mem>>
    %dma_start3A_258 = tpu.memref_squeeze %dma_start3A_257 : memref<1x!tpu.dma_semaphore, #tpu.memory_space<semaphore_mem>> -> memref<!tpu.dma_semaphore, #tpu.memory_space<semaphore_mem>>
    %dma_start3A_259 = arith.constant 0 : i32
    %dma_start3A_260 = tpu.memref_slice %arg4[%dma_start3A_248, %mul3A_2, %dma_start3A_259] : memref<50x4096x128xf32, #tpu.memory_space<hbm>> -> memref<1x128x128xf32, #tpu.memory_space<hbm>>
    %dma_start3A_261 = tpu.memref_squeeze %dma_start3A_260 : memref<1x128x128xf32, #tpu.memory_space<hbm>> -> memref<128x128xf32, #tpu.memory_space<hbm>>
    %dma_start3A_262 = arith.constant 0 : i32
    %dma_start3A_263 = arith.constant 0 : i32
    %dma_start3A_264 = tpu.memref_slice %arg6[%dma_start3A_247, %dma_start3A_262, %dma_start3A_263] : memref<6x128x128xf32, #tpu.memory_space<vmem>> -> memref<1x128x128xf32, #tpu.memory_space<vmem>>
    %dma_start3A_265 = tpu.memref_squeeze %dma_start3A_264 : memref<1x128x128xf32, #tpu.memory_space<vmem>> -> memref<128x128xf32, #tpu.memory_space<vmem>>
    tpu.enqueue_dma source(%dma_start3A_265 : memref<128x128xf32, #tpu.memory_space<vmem>>) target(%dma_start3A_261 : memref<128x128xf32, #tpu.memory_space<hbm>>) target_semaphore(%dma_start3A_258 : memref<!tpu.dma_semaphore, #tpu.memory_space<semaphore_mem>>)
    %dma_wait3A_266 = arith.constant 1 : i32
    %dma_wait3A_267 = arith.constant 0 : i32
    %dma_wait3A_268 = arith.constant 1 : i32
    %dma_wait3A_269 = arith.constant 0 : i32
    %dma_wait3A_270 = arith.constant 0 : i32
    %dma_wait3A_271 = tpu.memref_slice %arg6[%dma_wait3A_266, %dma_wait3A_269, %dma_wait3A_270] : memref<6x128x128xf32, #tpu.memory_space<vmem>> -> memref<1x128x128xf32, #tpu.memory_space<vmem>>
    %dma_wait3A_272 = tpu.memref_squeeze %dma_wait3A_271 : memref<1x128x128xf32, #tpu.memory_space<vmem>> -> memref<128x128xf32, #tpu.memory_space<vmem>>
    %dma_wait3A_273 = arith.constant 0 : i32
    %dma_wait3A_274 = tpu.memref_slice %arg4[%dma_wait3A_267, %mul3A_2, %dma_wait3A_273] : memref<50x4096x128xf32, #tpu.memory_space<hbm>> -> memref<1x128x128xf32, #tpu.memory_space<hbm>>
    %dma_wait3A_275 = tpu.memref_squeeze %dma_wait3A_274 : memref<1x128x128xf32, #tpu.memory_space<hbm>> -> memref<128x128xf32, #tpu.memory_space<hbm>>
    %dma_wait3A_276 = tpu.memref_slice %arg8[%dma_wait3A_268] : memref<6x!tpu.dma_semaphore, #tpu.memory_space<semaphore_mem>> -> memref<1x!tpu.dma_semaphore, #tpu.memory_space<semaphore_mem>>
    %dma_wait3A_277 = tpu.memref_squeeze %dma_wait3A_276 : memref<1x!tpu.dma_semaphore, #tpu.memory_space<semaphore_mem>> -> memref<!tpu.dma_semaphore, #tpu.memory_space<semaphore_mem>>
    %dma_wait3A_278 = arith.constant 0 : i32
    %dma_wait3A_279 = tpu.memref_slice %arg4[%dma_wait3A_267, %mul3A_2, %dma_wait3A_278] : memref<50x4096x128xf32, #tpu.memory_space<hbm>> -> memref<1x128x128xf32, #tpu.memory_space<hbm>>
    %dma_wait3A_280 = tpu.memref_squeeze %dma_wait3A_279 : memref<1x128x128xf32, #tpu.memory_space<hbm>> -> memref<128x128xf32, #tpu.memory_space<hbm>>
    %dma_wait3A_281 = arith.constant 0 : i32
    %dma_wait3A_282 = arith.constant 0 : i32
    %dma_wait3A_283 = tpu.memref_slice %arg6[%dma_wait3A_266, %dma_wait3A_281, %dma_wait3A_282] : memref<6x128x128xf32, #tpu.memory_space<vmem>> -> memref<1x128x128xf32, #tpu.memory_space<vmem>>
    %dma_wait3A_284 = tpu.memref_squeeze %dma_wait3A_283 : memref<1x128x128xf32, #tpu.memory_space<vmem>> -> memref<128x128xf32, #tpu.memory_space<vmem>>
    tpu.wait_dma2 semaphore(%dma_wait3A_277 : memref<!tpu.dma_semaphore, #tpu.memory_space<semaphore_mem>>) src(%dma_wait3A_284 : memref<128x128xf32, #tpu.memory_space<vmem>>) dst(%dma_wait3A_280 : memref<128x128xf32, #tpu.memory_space<hbm>>)
    %dma_start3A_285 = arith.constant 49 : i32
    %dma_start3A_286 = arith.constant 1 : i32
    %dma_start3A_287 = arith.constant 1 : i32
    %dma_start3A_288 = arith.constant 0 : i32
    %dma_start3A_289 = arith.constant 0 : i32
    %dma_start3A_290 = tpu.memref_slice %arg6[%dma_start3A_286, %dma_start3A_288, %dma_start3A_289] : memref<6x128x128xf32, #tpu.memory_space<vmem>> -> memref<1x128x128xf32, #tpu.memory_space<vmem>>
    %dma_start3A_291 = tpu.memref_squeeze %dma_start3A_290 : memref<1x128x128xf32, #tpu.memory_space<vmem>> -> memref<128x128xf32, #tpu.memory_space<vmem>>
    %dma_start3A_292 = arith.constant 0 : i32
    %dma_start3A_293 = tpu.memref_slice %arg5[%dma_start3A_285, %dma_start3A_292] : memref<50x128xi32, #tpu.memory_space<vmem>> -> memref<1x128xi32, #tpu.memory_space<vmem>>
    %dma_start3A_294 = tpu.memref_squeeze %dma_start3A_293 : memref<1x128xi32, #tpu.memory_space<vmem>> -> memref<128xi32, #tpu.memory_space<vmem>>
    %dma_start3A_295 = arith.constant 0 : i32
    %dma_start3A_296 = arith.constant 0 : i32
    %dma_start3A_297 = tpu.memref_slice %arg3[%dma_start3A_295, %dma_start3A_296] : memref<100001x128xf32, #tpu.memory_space<hbm>> -> memref<100001x128xf32, #tpu.memory_space<hbm>>
    %dma_start3A_298 = tpu.memref_slice %arg7[%dma_start3A_287] : memref<6x!tpu.dma_semaphore, #tpu.memory_space<semaphore_mem>> -> memref<1x!tpu.dma_semaphore, #tpu.memory_space<semaphore_mem>>
    %dma_start3A_299 = tpu.memref_squeeze %dma_start3A_298 : memref<1x!tpu.dma_semaphore, #tpu.memory_space<semaphore_mem>> -> memref<!tpu.dma_semaphore, #tpu.memory_space<semaphore_mem>>
    tpu.enqueue_indirect_dma source(%dma_start3A_297 : memref<100001x128xf32, #tpu.memory_space<hbm>>) target(%dma_start3A_291 : memref<128x128xf32, #tpu.memory_space<vmem>>) offsets(%dma_start3A_294 : memref<128xi32, #tpu.memory_space<vmem>>) semaphore(%dma_start3A_299 : memref<!tpu.dma_semaphore, #tpu.memory_space<semaphore_mem>>)
    %dma_wait3A_300 = arith.constant 0 : i32
    %dma_wait3A_301 = arith.constant 4 : i32
    %dma_wait3A_302 = arith.constant 4 : i32
    %dma_wait3A_303 = arith.constant 0 : i32
    %dma_wait3A_304 = arith.constant 0 : i32
    %dma_wait3A_305 = tpu.memref_slice %arg6[%dma_wait3A_301, %dma_wait3A_303, %dma_wait3A_304] : memref<6x128x128xf32, #tpu.memory_space<vmem>> -> memref<1x128x128xf32, #tpu.memory_space<vmem>>
    %dma_wait3A_306 = tpu.memref_squeeze %dma_wait3A_305 : memref<1x128x128xf32, #tpu.memory_space<vmem>> -> memref<128x128xf32, #tpu.memory_space<vmem>>
    %dma_wait3A_307 = arith.constant 0 : i32
    %dma_wait3A_308 = tpu.memref_slice %arg5[%dma_wait3A_300, %dma_wait3A_307] : memref<50x128xi32, #tpu.memory_space<vmem>> -> memref<1x128xi32, #tpu.memory_space<vmem>>
    %dma_wait3A_309 = tpu.memref_squeeze %dma_wait3A_308 : memref<1x128xi32, #tpu.memory_space<vmem>> -> memref<128xi32, #tpu.memory_space<vmem>>
    %dma_wait3A_310 = arith.constant 0 : i32
    %dma_wait3A_311 = arith.constant 0 : i32
    %dma_wait3A_312 = tpu.memref_slice %arg3[%dma_wait3A_310, %dma_wait3A_311] : memref<100001x128xf32, #tpu.memory_space<hbm>> -> memref<100001x128xf32, #tpu.memory_space<hbm>>
    %dma_wait3A_313 = tpu.memref_slice %arg7[%dma_wait3A_302] : memref<6x!tpu.dma_semaphore, #tpu.memory_space<semaphore_mem>> -> memref<1x!tpu.dma_semaphore, #tpu.memory_space<semaphore_mem>>
    %dma_wait3A_314 = tpu.memref_squeeze %dma_wait3A_313 : memref<1x!tpu.dma_semaphore, #tpu.memory_space<semaphore_mem>> -> memref<!tpu.dma_semaphore, #tpu.memory_space<semaphore_mem>>
    tpu.wait_indirect_dma semaphore(%dma_wait3A_314 : memref<!tpu.dma_semaphore, #tpu.memory_space<semaphore_mem>>) src(%dma_wait3A_312 : memref<100001x128xf32, #tpu.memory_space<hbm>>) dst(%dma_wait3A_306 : memref<128x128xf32, #tpu.memory_space<vmem>>)
    %dma_start3A_315 = arith.constant 4 : i32
    %dma_start3A_316 = arith.constant 46 : i32
    %dma_start3A_317 = arith.constant 4 : i32
    %dma_start3A_318 = arith.constant 0 : i32
    %dma_start3A_319 = arith.constant 0 : i32
    %dma_start3A_320 = tpu.memref_slice %arg6[%dma_start3A_315, %dma_start3A_318, %dma_start3A_319] : memref<6x128x128xf32, #tpu.memory_space<vmem>> -> memref<1x128x128xf32, #tpu.memory_space<vmem>>
    %dma_start3A_321 = tpu.memref_squeeze %dma_start3A_320 : memref<1x128x128xf32, #tpu.memory_space<vmem>> -> memref<128x128xf32, #tpu.memory_space<vmem>>
    %dma_start3A_322 = arith.constant 0 : i32
    %dma_start3A_323 = tpu.memref_slice %arg4[%dma_start3A_316, %mul3A_2, %dma_start3A_322] : memref<50x4096x128xf32, #tpu.memory_space<hbm>> -> memref<1x128x128xf32, #tpu.memory_space<hbm>>
    %dma_start3A_324 = tpu.memref_squeeze %dma_start3A_323 : memref<1x128x128xf32, #tpu.memory_space<hbm>> -> memref<128x128xf32, #tpu.memory_space<hbm>>
    %dma_start3A_325 = tpu.memref_slice %arg8[%dma_start3A_317] : memref<6x!tpu.dma_semaphore, #tpu.memory_space<semaphore_mem>> -> memref<1x!tpu.dma_semaphore, #tpu.memory_space<semaphore_mem>>
    %dma_start3A_326 = tpu.memref_squeeze %dma_start3A_325 : memref<1x!tpu.dma_semaphore, #tpu.memory_space<semaphore_mem>> -> memref<!tpu.dma_semaphore, #tpu.memory_space<semaphore_mem>>
    %dma_start3A_327 = arith.constant 0 : i32
    %dma_start3A_328 = tpu.memref_slice %arg4[%dma_start3A_316, %mul3A_2, %dma_start3A_327] : memref<50x4096x128xf32, #tpu.memory_space<hbm>> -> memref<1x128x128xf32, #tpu.memory_space<hbm>>
    %dma_start3A_329 = tpu.memref_squeeze %dma_start3A_328 : memref<1x128x128xf32, #tpu.memory_space<hbm>> -> memref<128x128xf32, #tpu.memory_space<hbm>>
    %dma_start3A_330 = arith.constant 0 : i32
    %dma_start3A_331 = arith.constant 0 : i32
    %dma_start3A_332 = tpu.memref_slice %arg6[%dma_start3A_315, %dma_start3A_330, %dma_start3A_331] : memref<6x128x128xf32, #tpu.memory_space<vmem>> -> memref<1x128x128xf32, #tpu.memory_space<vmem>>
    %dma_start3A_333 = tpu.memref_squeeze %dma_start3A_332 : memref<1x128x128xf32, #tpu.memory_space<vmem>> -> memref<128x128xf32, #tpu.memory_space<vmem>>
    tpu.enqueue_dma source(%dma_start3A_333 : memref<128x128xf32, #tpu.memory_space<vmem>>) target(%dma_start3A_329 : memref<128x128xf32, #tpu.memory_space<hbm>>) target_semaphore(%dma_start3A_326 : memref<!tpu.dma_semaphore, #tpu.memory_space<semaphore_mem>>)
    %dma_wait3A_334 = arith.constant 0 : i32
    %dma_wait3A_335 = arith.constant 5 : i32
    %dma_wait3A_336 = arith.constant 5 : i32
    %dma_wait3A_337 = arith.constant 0 : i32
    %dma_wait3A_338 = arith.constant 0 : i32
    %dma_wait3A_339 = tpu.memref_slice %arg6[%dma_wait3A_335, %dma_wait3A_337, %dma_wait3A_338] : memref<6x128x128xf32, #tpu.memory_space<vmem>> -> memref<1x128x128xf32, #tpu.memory_space<vmem>>
    %dma_wait3A_340 = tpu.memref_squeeze %dma_wait3A_339 : memref<1x128x128xf32, #tpu.memory_space<vmem>> -> memref<128x128xf32, #tpu.memory_space<vmem>>
    %dma_wait3A_341 = arith.constant 0 : i32
    %dma_wait3A_342 = tpu.memref_slice %arg5[%dma_wait3A_334, %dma_wait3A_341] : memref<50x128xi32, #tpu.memory_space<vmem>> -> memref<1x128xi32, #tpu.memory_space<vmem>>
    %dma_wait3A_343 = tpu.memref_squeeze %dma_wait3A_342 : memref<1x128xi32, #tpu.memory_space<vmem>> -> memref<128xi32, #tpu.memory_space<vmem>>
    %dma_wait3A_344 = arith.constant 0 : i32
    %dma_wait3A_345 = arith.constant 0 : i32
    %dma_wait3A_346 = tpu.memref_slice %arg3[%dma_wait3A_344, %dma_wait3A_345] : memref<100001x128xf32, #tpu.memory_space<hbm>> -> memref<100001x128xf32, #tpu.memory_space<hbm>>
    %dma_wait3A_347 = tpu.memref_slice %arg7[%dma_wait3A_336] : memref<6x!tpu.dma_semaphore, #tpu.memory_space<semaphore_mem>> -> memref<1x!tpu.dma_semaphore, #tpu.memory_space<semaphore_mem>>
    %dma_wait3A_348 = tpu.memref_squeeze %dma_wait3A_347 : memref<1x!tpu.dma_semaphore, #tpu.memory_space<semaphore_mem>> -> memref<!tpu.dma_semaphore, #tpu.memory_space<semaphore_mem>>
    tpu.wait_indirect_dma semaphore(%dma_wait3A_348 : memref<!tpu.dma_semaphore, #tpu.memory_space<semaphore_mem>>) src(%dma_wait3A_346 : memref<100001x128xf32, #tpu.memory_space<hbm>>) dst(%dma_wait3A_340 : memref<128x128xf32, #tpu.memory_space<vmem>>)
    %dma_start3A_349 = arith.constant 5 : i32
    %dma_start3A_350 = arith.constant 47 : i32
    %dma_start3A_351 = arith.constant 5 : i32
    %dma_start3A_352 = arith.constant 0 : i32
    %dma_start3A_353 = arith.constant 0 : i32
    %dma_start3A_354 = tpu.memref_slice %arg6[%dma_start3A_349, %dma_start3A_352, %dma_start3A_353] : memref<6x128x128xf32, #tpu.memory_space<vmem>> -> memref<1x128x128xf32, #tpu.memory_space<vmem>>
    %dma_start3A_355 = tpu.memref_squeeze %dma_start3A_354 : memref<1x128x128xf32, #tpu.memory_space<vmem>> -> memref<128x128xf32, #tpu.memory_space<vmem>>
    %dma_start3A_356 = arith.constant 0 : i32
    %dma_start3A_357 = tpu.memref_slice %arg4[%dma_start3A_350, %mul3A_2, %dma_start3A_356] : memref<50x4096x128xf32, #tpu.memory_space<hbm>> -> memref<1x128x128xf32, #tpu.memory_space<hbm>>
    %dma_start3A_358 = tpu.memref_squeeze %dma_start3A_357 : memref<1x128x128xf32, #tpu.memory_space<hbm>> -> memref<128x128xf32, #tpu.memory_space<hbm>>
    %dma_start3A_359 = tpu.memref_slice %arg8[%dma_start3A_351] : memref<6x!tpu.dma_semaphore, #tpu.memory_space<semaphore_mem>> -> memref<1x!tpu.dma_semaphore, #tpu.memory_space<semaphore_mem>>
    %dma_start3A_360 = tpu.memref_squeeze %dma_start3A_359 : memref<1x!tpu.dma_semaphore, #tpu.memory_space<semaphore_mem>> -> memref<!tpu.dma_semaphore, #tpu.memory_space<semaphore_mem>>
    %dma_start3A_361 = arith.constant 0 : i32
    %dma_start3A_362 = tpu.memref_slice %arg4[%dma_start3A_350, %mul3A_2, %dma_start3A_361] : memref<50x4096x128xf32, #tpu.memory_space<hbm>> -> memref<1x128x128xf32, #tpu.memory_space<hbm>>
    %dma_start3A_363 = tpu.memref_squeeze %dma_start3A_362 : memref<1x128x128xf32, #tpu.memory_space<hbm>> -> memref<128x128xf32, #tpu.memory_space<hbm>>
    %dma_start3A_364 = arith.constant 0 : i32
    %dma_start3A_365 = arith.constant 0 : i32
    %dma_start3A_366 = tpu.memref_slice %arg6[%dma_start3A_349, %dma_start3A_364, %dma_start3A_365] : memref<6x128x128xf32, #tpu.memory_space<vmem>> -> memref<1x128x128xf32, #tpu.memory_space<vmem>>
    %dma_start3A_367 = tpu.memref_squeeze %dma_start3A_366 : memref<1x128x128xf32, #tpu.memory_space<vmem>> -> memref<128x128xf32, #tpu.memory_space<vmem>>
    tpu.enqueue_dma source(%dma_start3A_367 : memref<128x128xf32, #tpu.memory_space<vmem>>) target(%dma_start3A_363 : memref<128x128xf32, #tpu.memory_space<hbm>>) target_semaphore(%dma_start3A_360 : memref<!tpu.dma_semaphore, #tpu.memory_space<semaphore_mem>>)
    %dma_wait3A_368 = arith.constant 0 : i32
    %dma_wait3A_369 = arith.constant 0 : i32
    %dma_wait3A_370 = arith.constant 0 : i32
    %dma_wait3A_371 = arith.constant 0 : i32
    %dma_wait3A_372 = arith.constant 0 : i32
    %dma_wait3A_373 = tpu.memref_slice %arg6[%dma_wait3A_369, %dma_wait3A_371, %dma_wait3A_372] : memref<6x128x128xf32, #tpu.memory_space<vmem>> -> memref<1x128x128xf32, #tpu.memory_space<vmem>>
    %dma_wait3A_374 = tpu.memref_squeeze %dma_wait3A_373 : memref<1x128x128xf32, #tpu.memory_space<vmem>> -> memref<128x128xf32, #tpu.memory_space<vmem>>
    %dma_wait3A_375 = arith.constant 0 : i32
    %dma_wait3A_376 = tpu.memref_slice %arg5[%dma_wait3A_368, %dma_wait3A_375] : memref<50x128xi32, #tpu.memory_space<vmem>> -> memref<1x128xi32, #tpu.memory_space<vmem>>
    %dma_wait3A_377 = tpu.memref_squeeze %dma_wait3A_376 : memref<1x128xi32, #tpu.memory_space<vmem>> -> memref<128xi32, #tpu.memory_space<vmem>>
    %dma_wait3A_378 = arith.constant 0 : i32
    %dma_wait3A_379 = arith.constant 0 : i32
    %dma_wait3A_380 = tpu.memref_slice %arg3[%dma_wait3A_378, %dma_wait3A_379] : memref<100001x128xf32, #tpu.memory_space<hbm>> -> memref<100001x128xf32, #tpu.memory_space<hbm>>
    %dma_wait3A_381 = tpu.memref_slice %arg7[%dma_wait3A_370] : memref<6x!tpu.dma_semaphore, #tpu.memory_space<semaphore_mem>> -> memref<1x!tpu.dma_semaphore, #tpu.memory_space<semaphore_mem>>
    %dma_wait3A_382 = tpu.memref_squeeze %dma_wait3A_381 : memref<1x!tpu.dma_semaphore, #tpu.memory_space<semaphore_mem>> -> memref<!tpu.dma_semaphore, #tpu.memory_space<semaphore_mem>>
    tpu.wait_indirect_dma semaphore(%dma_wait3A_382 : memref<!tpu.dma_semaphore, #tpu.memory_space<semaphore_mem>>) src(%dma_wait3A_380 : memref<100001x128xf32, #tpu.memory_space<hbm>>) dst(%dma_wait3A_374 : memref<128x128xf32, #tpu.memory_space<vmem>>)
    %dma_start3A_383 = arith.constant 0 : i32
    %dma_start3A_384 = arith.constant 48 : i32
    %dma_start3A_385 = arith.constant 0 : i32
    %dma_start3A_386 = arith.constant 0 : i32
    %dma_start3A_387 = arith.constant 0 : i32
    %dma_start3A_388 = tpu.memref_slice %arg6[%dma_start3A_383, %dma_start3A_386, %dma_start3A_387] : memref<6x128x128xf32, #tpu.memory_space<vmem>> -> memref<1x128x128xf32, #tpu.memory_space<vmem>>
    %dma_start3A_389 = tpu.memref_squeeze %dma_start3A_388 : memref<1x128x128xf32, #tpu.memory_space<vmem>> -> memref<128x128xf32, #tpu.memory_space<vmem>>
    %dma_start3A_390 = arith.constant 0 : i32
    %dma_start3A_391 = tpu.memref_slice %arg4[%dma_start3A_384, %mul3A_2, %dma_start3A_390] : memref<50x4096x128xf32, #tpu.memory_space<hbm>> -> memref<1x128x128xf32, #tpu.memory_space<hbm>>
    %dma_start3A_392 = tpu.memref_squeeze %dma_start3A_391 : memref<1x128x128xf32, #tpu.memory_space<hbm>> -> memref<128x128xf32, #tpu.memory_space<hbm>>
    %dma_start3A_393 = tpu.memref_slice %arg8[%dma_start3A_385] : memref<6x!tpu.dma_semaphore, #tpu.memory_space<semaphore_mem>> -> memref<1x!tpu.dma_semaphore, #tpu.memory_space<semaphore_mem>>
    %dma_start3A_394 = tpu.memref_squeeze %dma_start3A_393 : memref<1x!tpu.dma_semaphore, #tpu.memory_space<semaphore_mem>> -> memref<!tpu.dma_semaphore, #tpu.memory_space<semaphore_mem>>
    %dma_start3A_395 = arith.constant 0 : i32
    %dma_start3A_396 = tpu.memref_slice %arg4[%dma_start3A_384, %mul3A_2, %dma_start3A_395] : memref<50x4096x128xf32, #tpu.memory_space<hbm>> -> memref<1x128x128xf32, #tpu.memory_space<hbm>>
    %dma_start3A_397 = tpu.memref_squeeze %dma_start3A_396 : memref<1x128x128xf32, #tpu.memory_space<hbm>> -> memref<128x128xf32, #tpu.memory_space<hbm>>
    %dma_start3A_398 = arith.constant 0 : i32
    %dma_start3A_399 = arith.constant 0 : i32
    %dma_start3A_400 = tpu.memref_slice %arg6[%dma_start3A_383, %dma_start3A_398, %dma_start3A_399] : memref<6x128x128xf32, #tpu.memory_space<vmem>> -> memref<1x128x128xf32, #tpu.memory_space<vmem>>
    %dma_start3A_401 = tpu.memref_squeeze %dma_start3A_400 : memref<1x128x128xf32, #tpu.memory_space<vmem>> -> memref<128x128xf32, #tpu.memory_space<vmem>>
    tpu.enqueue_dma source(%dma_start3A_401 : memref<128x128xf32, #tpu.memory_space<vmem>>) target(%dma_start3A_397 : memref<128x128xf32, #tpu.memory_space<hbm>>) target_semaphore(%dma_start3A_394 : memref<!tpu.dma_semaphore, #tpu.memory_space<semaphore_mem>>)
    %dma_wait3A_402 = arith.constant 0 : i32
    %dma_wait3A_403 = arith.constant 1 : i32
    %dma_wait3A_404 = arith.constant 1 : i32
    %dma_wait3A_405 = arith.constant 0 : i32
    %dma_wait3A_406 = arith.constant 0 : i32
    %dma_wait3A_407 = tpu.memref_slice %arg6[%dma_wait3A_403, %dma_wait3A_405, %dma_wait3A_406] : memref<6x128x128xf32, #tpu.memory_space<vmem>> -> memref<1x128x128xf32, #tpu.memory_space<vmem>>
    %dma_wait3A_408 = tpu.memref_squeeze %dma_wait3A_407 : memref<1x128x128xf32, #tpu.memory_space<vmem>> -> memref<128x128xf32, #tpu.memory_space<vmem>>
    %dma_wait3A_409 = arith.constant 0 : i32
    %dma_wait3A_410 = tpu.memref_slice %arg5[%dma_wait3A_402, %dma_wait3A_409] : memref<50x128xi32, #tpu.memory_space<vmem>> -> memref<1x128xi32, #tpu.memory_space<vmem>>
    %dma_wait3A_411 = tpu.memref_squeeze %dma_wait3A_410 : memref<1x128xi32, #tpu.memory_space<vmem>> -> memref<128xi32, #tpu.memory_space<vmem>>
    %dma_wait3A_412 = arith.constant 0 : i32
    %dma_wait3A_413 = arith.constant 0 : i32
    %dma_wait3A_414 = tpu.memref_slice %arg3[%dma_wait3A_412, %dma_wait3A_413] : memref<100001x128xf32, #tpu.memory_space<hbm>> -> memref<100001x128xf32, #tpu.memory_space<hbm>>
    %dma_wait3A_415 = tpu.memref_slice %arg7[%dma_wait3A_404] : memref<6x!tpu.dma_semaphore, #tpu.memory_space<semaphore_mem>> -> memref<1x!tpu.dma_semaphore, #tpu.memory_space<semaphore_mem>>
    %dma_wait3A_416 = tpu.memref_squeeze %dma_wait3A_415 : memref<1x!tpu.dma_semaphore, #tpu.memory_space<semaphore_mem>> -> memref<!tpu.dma_semaphore, #tpu.memory_space<semaphore_mem>>
    tpu.wait_indirect_dma semaphore(%dma_wait3A_416 : memref<!tpu.dma_semaphore, #tpu.memory_space<semaphore_mem>>) src(%dma_wait3A_414 : memref<100001x128xf32, #tpu.memory_space<hbm>>) dst(%dma_wait3A_408 : memref<128x128xf32, #tpu.memory_space<vmem>>)
    %dma_start3A_417 = arith.constant 1 : i32
    %dma_start3A_418 = arith.constant 49 : i32
    %dma_start3A_419 = arith.constant 1 : i32
    %dma_start3A_420 = arith.constant 0 : i32
    %dma_start3A_421 = arith.constant 0 : i32
    %dma_start3A_422 = tpu.memref_slice %arg6[%dma_start3A_417, %dma_start3A_420, %dma_start3A_421] : memref<6x128x128xf32, #tpu.memory_space<vmem>> -> memref<1x128x128xf32, #tpu.memory_space<vmem>>
    %dma_start3A_423 = tpu.memref_squeeze %dma_start3A_422 : memref<1x128x128xf32, #tpu.memory_space<vmem>> -> memref<128x128xf32, #tpu.memory_space<vmem>>
    %dma_start3A_424 = arith.constant 0 : i32
    %dma_start3A_425 = tpu.memref_slice %arg4[%dma_start3A_418, %mul3A_2, %dma_start3A_424] : memref<50x4096x128xf32, #tpu.memory_space<hbm>> -> memref<1x128x128xf32, #tpu.memory_space<hbm>>
    %dma_start3A_426 = tpu.memref_squeeze %dma_start3A_425 : memref<1x128x128xf32, #tpu.memory_space<hbm>> -> memref<128x128xf32, #tpu.memory_space<hbm>>
    %dma_start3A_427 = tpu.memref_slice %arg8[%dma_start3A_419] : memref<6x!tpu.dma_semaphore, #tpu.memory_space<semaphore_mem>> -> memref<1x!tpu.dma_semaphore, #tpu.memory_space<semaphore_mem>>
    %dma_start3A_428 = tpu.memref_squeeze %dma_start3A_427 : memref<1x!tpu.dma_semaphore, #tpu.memory_space<semaphore_mem>> -> memref<!tpu.dma_semaphore, #tpu.memory_space<semaphore_mem>>
    %dma_start3A_429 = arith.constant 0 : i32
    %dma_start3A_430 = tpu.memref_slice %arg4[%dma_start3A_418, %mul3A_2, %dma_start3A_429] : memref<50x4096x128xf32, #tpu.memory_space<hbm>> -> memref<1x128x128xf32, #tpu.memory_space<hbm>>
    %dma_start3A_431 = tpu.memref_squeeze %dma_start3A_430 : memref<1x128x128xf32, #tpu.memory_space<hbm>> -> memref<128x128xf32, #tpu.memory_space<hbm>>
    %dma_start3A_432 = arith.constant 0 : i32
    %dma_start3A_433 = arith.constant 0 : i32
    %dma_start3A_434 = tpu.memref_slice %arg6[%dma_start3A_417, %dma_start3A_432, %dma_start3A_433] : memref<6x128x128xf32, #tpu.memory_space<vmem>> -> memref<1x128x128xf32, #tpu.memory_space<vmem>>
    %dma_start3A_435 = tpu.memref_squeeze %dma_start3A_434 : memref<1x128x128xf32, #tpu.memory_space<vmem>> -> memref<128x128xf32, #tpu.memory_space<vmem>>
    tpu.enqueue_dma source(%dma_start3A_435 : memref<128x128xf32, #tpu.memory_space<vmem>>) target(%dma_start3A_431 : memref<128x128xf32, #tpu.memory_space<hbm>>) target_semaphore(%dma_start3A_428 : memref<!tpu.dma_semaphore, #tpu.memory_space<semaphore_mem>>)
    %dma_wait3A_436 = arith.constant 0 : i32
    %dma_wait3A_437 = arith.constant 0 : i32
    %dma_wait3A_438 = arith.constant 0 : i32
    %dma_wait3A_439 = arith.constant 0 : i32
    %dma_wait3A_440 = arith.constant 0 : i32
    %dma_wait3A_441 = tpu.memref_slice %arg6[%dma_wait3A_436, %dma_wait3A_439, %dma_wait3A_440] : memref<6x128x128xf32, #tpu.memory_space<vmem>> -> memref<1x128x128xf32, #tpu.memory_space<vmem>>
    %dma_wait3A_442 = tpu.memref_squeeze %dma_wait3A_441 : memref<1x128x128xf32, #tpu.memory_space<vmem>> -> memref<128x128xf32, #tpu.memory_space<vmem>>
    %dma_wait3A_443 = arith.constant 0 : i32
    %dma_wait3A_444 = tpu.memref_slice %arg4[%dma_wait3A_437, %mul3A_2, %dma_wait3A_443] : memref<50x4096x128xf32, #tpu.memory_space<hbm>> -> memref<1x128x128xf32, #tpu.memory_space<hbm>>
    %dma_wait3A_445 = tpu.memref_squeeze %dma_wait3A_444 : memref<1x128x128xf32, #tpu.memory_space<hbm>> -> memref<128x128xf32, #tpu.memory_space<hbm>>
    %dma_wait3A_446 = tpu.memref_slice %arg8[%dma_wait3A_438] : memref<6x!tpu.dma_semaphore, #tpu.memory_space<semaphore_mem>> -> memref<1x!tpu.dma_semaphore, #tpu.memory_space<semaphore_mem>>
    %dma_wait3A_447 = tpu.memref_squeeze %dma_wait3A_446 : memref<1x!tpu.dma_semaphore, #tpu.memory_space<semaphore_mem>> -> memref<!tpu.dma_semaphore, #tpu.memory_space<semaphore_mem>>
    %dma_wait3A_448 = arith.constant 0 : i32
    %dma_wait3A_449 = tpu.memref_slice %arg4[%dma_wait3A_437, %mul3A_2, %dma_wait3A_448] : memref<50x4096x128xf32, #tpu.memory_space<hbm>> -> memref<1x128x128xf32, #tpu.memory_space<hbm>>
    %dma_wait3A_450 = tpu.memref_squeeze %dma_wait3A_449 : memref<1x128x128xf32, #tpu.memory_space<hbm>> -> memref<128x128xf32, #tpu.memory_space<hbm>>
    %dma_wait3A_451 = arith.constant 0 : i32
    %dma_wait3A_452 = arith.constant 0 : i32
    %dma_wait3A_453 = tpu.memref_slice %arg6[%dma_wait3A_436, %dma_wait3A_451, %dma_wait3A_452] : memref<6x128x128xf32, #tpu.memory_space<vmem>> -> memref<1x128x128xf32, #tpu.memory_space<vmem>>
    %dma_wait3A_454 = tpu.memref_squeeze %dma_wait3A_453 : memref<1x128x128xf32, #tpu.memory_space<vmem>> -> memref<128x128xf32, #tpu.memory_space<vmem>>
    tpu.wait_dma2 semaphore(%dma_wait3A_447 : memref<!tpu.dma_semaphore, #tpu.memory_space<semaphore_mem>>) src(%dma_wait3A_454 : memref<128x128xf32, #tpu.memory_space<vmem>>) dst(%dma_wait3A_450 : memref<128x128xf32, #tpu.memory_space<hbm>>)
    %dma_wait3A_455 = arith.constant 1 : i32
    %dma_wait3A_456 = arith.constant 0 : i32
    %dma_wait3A_457 = arith.constant 1 : i32
    %dma_wait3A_458 = arith.constant 0 : i32
    %dma_wait3A_459 = arith.constant 0 : i32
    %dma_wait3A_460 = tpu.memref_slice %arg6[%dma_wait3A_455, %dma_wait3A_458, %dma_wait3A_459] : memref<6x128x128xf32, #tpu.memory_space<vmem>> -> memref<1x128x128xf32, #tpu.memory_space<vmem>>
    %dma_wait3A_461 = tpu.memref_squeeze %dma_wait3A_460 : memref<1x128x128xf32, #tpu.memory_space<vmem>> -> memref<128x128xf32, #tpu.memory_space<vmem>>
    %dma_wait3A_462 = arith.constant 0 : i32
    %dma_wait3A_463 = tpu.memref_slice %arg4[%dma_wait3A_456, %mul3A_2, %dma_wait3A_462] : memref<50x4096x128xf32, #tpu.memory_space<hbm>> -> memref<1x128x128xf32, #tpu.memory_space<hbm>>
    %dma_wait3A_464 = tpu.memref_squeeze %dma_wait3A_463 : memref<1x128x128xf32, #tpu.memory_space<hbm>> -> memref<128x128xf32, #tpu.memory_space<hbm>>
    %dma_wait3A_465 = tpu.memref_slice %arg8[%dma_wait3A_457] : memref<6x!tpu.dma_semaphore, #tpu.memory_space<semaphore_mem>> -> memref<1x!tpu.dma_semaphore, #tpu.memory_space<semaphore_mem>>
    %dma_wait3A_466 = tpu.memref_squeeze %dma_wait3A_465 : memref<1x!tpu.dma_semaphore, #tpu.memory_space<semaphore_mem>> -> memref<!tpu.dma_semaphore, #tpu.memory_space<semaphore_mem>>
    %dma_wait3A_467 = arith.constant 0 : i32
    %dma_wait3A_468 = tpu.memref_slice %arg4[%dma_wait3A_456, %mul3A_2, %dma_wait3A_467] : memref<50x4096x128xf32, #tpu.memory_space<hbm>> -> memref<1x128x128xf32, #tpu.memory_space<hbm>>
    %dma_wait3A_469 = tpu.memref_squeeze %dma_wait3A_468 : memref<1x128x128xf32, #tpu.memory_space<hbm>> -> memref<128x128xf32, #tpu.memory_space<hbm>>
    %dma_wait3A_470 = arith.constant 0 : i32
    %dma_wait3A_471 = arith.constant 0 : i32
    %dma_wait3A_472 = tpu.memref_slice %arg6[%dma_wait3A_455, %dma_wait3A_470, %dma_wait3A_471] : memref<6x128x128xf32, #tpu.memory_space<vmem>> -> memref<1x128x128xf32, #tpu.memory_space<vmem>>
    %dma_wait3A_473 = tpu.memref_squeeze %dma_wait3A_472 : memref<1x128x128xf32, #tpu.memory_space<vmem>> -> memref<128x128xf32, #tpu.memory_space<vmem>>
    tpu.wait_dma2 semaphore(%dma_wait3A_466 : memref<!tpu.dma_semaphore, #tpu.memory_space<semaphore_mem>>) src(%dma_wait3A_473 : memref<128x128xf32, #tpu.memory_space<vmem>>) dst(%dma_wait3A_469 : memref<128x128xf32, #tpu.memory_space<hbm>>)
    %dma_wait3A_474 = arith.constant 2 : i32
    %dma_wait3A_475 = arith.constant 0 : i32
    %dma_wait3A_476 = arith.constant 2 : i32
    %dma_wait3A_477 = arith.constant 0 : i32
    %dma_wait3A_478 = arith.constant 0 : i32
    %dma_wait3A_479 = tpu.memref_slice %arg6[%dma_wait3A_474, %dma_wait3A_477, %dma_wait3A_478] : memref<6x128x128xf32, #tpu.memory_space<vmem>> -> memref<1x128x128xf32, #tpu.memory_space<vmem>>
    %dma_wait3A_480 = tpu.memref_squeeze %dma_wait3A_479 : memref<1x128x128xf32, #tpu.memory_space<vmem>> -> memref<128x128xf32, #tpu.memory_space<vmem>>
    %dma_wait3A_481 = arith.constant 0 : i32
    %dma_wait3A_482 = tpu.memref_slice %arg4[%dma_wait3A_475, %mul3A_2, %dma_wait3A_481] : memref<50x4096x128xf32, #tpu.memory_space<hbm>> -> memref<1x128x128xf32, #tpu.memory_space<hbm>>
    %dma_wait3A_483 = tpu.memref_squeeze %dma_wait3A_482 : memref<1x128x128xf32, #tpu.memory_space<hbm>> -> memref<128x128xf32, #tpu.memory_space<hbm>>
    %dma_wait3A_484 = tpu.memref_slice %arg8[%dma_wait3A_476] : memref<6x!tpu.dma_semaphore, #tpu.memory_space<semaphore_mem>> -> memref<1x!tpu.dma_semaphore, #tpu.memory_space<semaphore_mem>>
    %dma_wait3A_485 = tpu.memref_squeeze %dma_wait3A_484 : memref<1x!tpu.dma_semaphore, #tpu.memory_space<semaphore_mem>> -> memref<!tpu.dma_semaphore, #tpu.memory_space<semaphore_mem>>
    %dma_wait3A_486 = arith.constant 0 : i32
    %dma_wait3A_487 = tpu.memref_slice %arg4[%dma_wait3A_475, %mul3A_2, %dma_wait3A_486] : memref<50x4096x128xf32, #tpu.memory_space<hbm>> -> memref<1x128x128xf32, #tpu.memory_space<hbm>>
    %dma_wait3A_488 = tpu.memref_squeeze %dma_wait3A_487 : memref<1x128x128xf32, #tpu.memory_space<hbm>> -> memref<128x128xf32, #tpu.memory_space<hbm>>
    %dma_wait3A_489 = arith.constant 0 : i32
    %dma_wait3A_490 = arith.constant 0 : i32
    %dma_wait3A_491 = tpu.memref_slice %arg6[%dma_wait3A_474, %dma_wait3A_489, %dma_wait3A_490] : memref<6x128x128xf32, #tpu.memory_space<vmem>> -> memref<1x128x128xf32, #tpu.memory_space<vmem>>
    %dma_wait3A_492 = tpu.memref_squeeze %dma_wait3A_491 : memref<1x128x128xf32, #tpu.memory_space<vmem>> -> memref<128x128xf32, #tpu.memory_space<vmem>>
    tpu.wait_dma2 semaphore(%dma_wait3A_485 : memref<!tpu.dma_semaphore, #tpu.memory_space<semaphore_mem>>) src(%dma_wait3A_492 : memref<128x128xf32, #tpu.memory_space<vmem>>) dst(%dma_wait3A_488 : memref<128x128xf32, #tpu.memory_space<hbm>>)
    %dma_wait3A_493 = arith.constant 3 : i32
    %dma_wait3A_494 = arith.constant 0 : i32
    %dma_wait3A_495 = arith.constant 3 : i32
    %dma_wait3A_496 = arith.constant 0 : i32
    %dma_wait3A_497 = arith.constant 0 : i32
    %dma_wait3A_498 = tpu.memref_slice %arg6[%dma_wait3A_493, %dma_wait3A_496, %dma_wait3A_497] : memref<6x128x128xf32, #tpu.memory_space<vmem>> -> memref<1x128x128xf32, #tpu.memory_space<vmem>>
    %dma_wait3A_499 = tpu.memref_squeeze %dma_wait3A_498 : memref<1x128x128xf32, #tpu.memory_space<vmem>> -> memref<128x128xf32, #tpu.memory_space<vmem>>
    %dma_wait3A_500 = arith.constant 0 : i32
    %dma_wait3A_501 = tpu.memref_slice %arg4[%dma_wait3A_494, %mul3A_2, %dma_wait3A_500] : memref<50x4096x128xf32, #tpu.memory_space<hbm>> -> memref<1x128x128xf32, #tpu.memory_space<hbm>>
    %dma_wait3A_502 = tpu.memref_squeeze %dma_wait3A_501 : memref<1x128x128xf32, #tpu.memory_space<hbm>> -> memref<128x128xf32, #tpu.memory_space<hbm>>
    %dma_wait3A_503 = tpu.memref_slice %arg8[%dma_wait3A_495] : memref<6x!tpu.dma_semaphore, #tpu.memory_space<semaphore_mem>> -> memref<1x!tpu.dma_semaphore, #tpu.memory_space<semaphore_mem>>
    %dma_wait3A_504 = tpu.memref_squeeze %dma_wait3A_503 : memref<1x!tpu.dma_semaphore, #tpu.memory_space<semaphore_mem>> -> memref<!tpu.dma_semaphore, #tpu.memory_space<semaphore_mem>>
    %dma_wait3A_505 = arith.constant 0 : i32
    %dma_wait3A_506 = tpu.memref_slice %arg4[%dma_wait3A_494, %mul3A_2, %dma_wait3A_505] : memref<50x4096x128xf32, #tpu.memory_space<hbm>> -> memref<1x128x128xf32, #tpu.memory_space<hbm>>
    %dma_wait3A_507 = tpu.memref_squeeze %dma_wait3A_506 : memref<1x128x128xf32, #tpu.memory_space<hbm>> -> memref<128x128xf32, #tpu.memory_space<hbm>>
    %dma_wait3A_508 = arith.constant 0 : i32
    %dma_wait3A_509 = arith.constant 0 : i32
    %dma_wait3A_510 = tpu.memref_slice %arg6[%dma_wait3A_493, %dma_wait3A_508, %dma_wait3A_509] : memref<6x128x128xf32, #tpu.memory_space<vmem>> -> memref<1x128x128xf32, #tpu.memory_space<vmem>>
    %dma_wait3A_511 = tpu.memref_squeeze %dma_wait3A_510 : memref<1x128x128xf32, #tpu.memory_space<vmem>> -> memref<128x128xf32, #tpu.memory_space<vmem>>
    tpu.wait_dma2 semaphore(%dma_wait3A_504 : memref<!tpu.dma_semaphore, #tpu.memory_space<semaphore_mem>>) src(%dma_wait3A_511 : memref<128x128xf32, #tpu.memory_space<vmem>>) dst(%dma_wait3A_507 : memref<128x128xf32, #tpu.memory_space<hbm>>)
    %dma_wait3A_512 = arith.constant 4 : i32
    %dma_wait3A_513 = arith.constant 0 : i32
    %dma_wait3A_514 = arith.constant 4 : i32
    %dma_wait3A_515 = arith.constant 0 : i32
    %dma_wait3A_516 = arith.constant 0 : i32
    %dma_wait3A_517 = tpu.memref_slice %arg6[%dma_wait3A_512, %dma_wait3A_515, %dma_wait3A_516] : memref<6x128x128xf32, #tpu.memory_space<vmem>> -> memref<1x128x128xf32, #tpu.memory_space<vmem>>
    %dma_wait3A_518 = tpu.memref_squeeze %dma_wait3A_517 : memref<1x128x128xf32, #tpu.memory_space<vmem>> -> memref<128x128xf32, #tpu.memory_space<vmem>>
    %dma_wait3A_519 = arith.constant 0 : i32
    %dma_wait3A_520 = tpu.memref_slice %arg4[%dma_wait3A_513, %mul3A_2, %dma_wait3A_519] : memref<50x4096x128xf32, #tpu.memory_space<hbm>> -> memref<1x128x128xf32, #tpu.memory_space<hbm>>
    %dma_wait3A_521 = tpu.memref_squeeze %dma_wait3A_520 : memref<1x128x128xf32, #tpu.memory_space<hbm>> -> memref<128x128xf32, #tpu.memory_space<hbm>>
    %dma_wait3A_522 = tpu.memref_slice %arg8[%dma_wait3A_514] : memref<6x!tpu.dma_semaphore, #tpu.memory_space<semaphore_mem>> -> memref<1x!tpu.dma_semaphore, #tpu.memory_space<semaphore_mem>>
    %dma_wait3A_523 = tpu.memref_squeeze %dma_wait3A_522 : memref<1x!tpu.dma_semaphore, #tpu.memory_space<semaphore_mem>> -> memref<!tpu.dma_semaphore, #tpu.memory_space<semaphore_mem>>
    %dma_wait3A_524 = arith.constant 0 : i32
    %dma_wait3A_525 = tpu.memref_slice %arg4[%dma_wait3A_513, %mul3A_2, %dma_wait3A_524] : memref<50x4096x128xf32, #tpu.memory_space<hbm>> -> memref<1x128x128xf32, #tpu.memory_space<hbm>>
    %dma_wait3A_526 = tpu.memref_squeeze %dma_wait3A_525 : memref<1x128x128xf32, #tpu.memory_space<hbm>> -> memref<128x128xf32, #tpu.memory_space<hbm>>
    %dma_wait3A_527 = arith.constant 0 : i32
    %dma_wait3A_528 = arith.constant 0 : i32
    %dma_wait3A_529 = tpu.memref_slice %arg6[%dma_wait3A_512, %dma_wait3A_527, %dma_wait3A_528] : memref<6x128x128xf32, #tpu.memory_space<vmem>> -> memref<1x128x128xf32, #tpu.memory_space<vmem>>
    %dma_wait3A_530 = tpu.memref_squeeze %dma_wait3A_529 : memref<1x128x128xf32, #tpu.memory_space<vmem>> -> memref<128x128xf32, #tpu.memory_space<vmem>>
    tpu.wait_dma2 semaphore(%dma_wait3A_523 : memref<!tpu.dma_semaphore, #tpu.memory_space<semaphore_mem>>) src(%dma_wait3A_530 : memref<128x128xf32, #tpu.memory_space<vmem>>) dst(%dma_wait3A_526 : memref<128x128xf32, #tpu.memory_space<hbm>>)
    %dma_wait3A_531 = arith.constant 5 : i32
    %dma_wait3A_532 = arith.constant 0 : i32
    %dma_wait3A_533 = arith.constant 5 : i32
    %dma_wait3A_534 = arith.constant 0 : i32
    %dma_wait3A_535 = arith.constant 0 : i32
    %dma_wait3A_536 = tpu.memref_slice %arg6[%dma_wait3A_531, %dma_wait3A_534, %dma_wait3A_535] : memref<6x128x128xf32, #tpu.memory_space<vmem>> -> memref<1x128x128xf32, #tpu.memory_space<vmem>>
    %dma_wait3A_537 = tpu.memref_squeeze %dma_wait3A_536 : memref<1x128x128xf32, #tpu.memory_space<vmem>> -> memref<128x128xf32, #tpu.memory_space<vmem>>
    %dma_wait3A_538 = arith.constant 0 : i32
    %dma_wait3A_539 = tpu.memref_slice %arg4[%dma_wait3A_532, %mul3A_2, %dma_wait3A_538] : memref<50x4096x128xf32, #tpu.memory_space<hbm>> -> memref<1x128x128xf32, #tpu.memory_space<hbm>>
    %dma_wait3A_540 = tpu.memref_squeeze %dma_wait3A_539 : memref<1x128x128xf32, #tpu.memory_space<hbm>> -> memref<128x128xf32, #tpu.memory_space<hbm>>
    %dma_wait3A_541 = tpu.memref_slice %arg8[%dma_wait3A_533] : memref<6x!tpu.dma_semaphore, #tpu.memory_space<semaphore_mem>> -> memref<1x!tpu.dma_semaphore, #tpu.memory_space<semaphore_mem>>
    %dma_wait3A_542 = tpu.memref_squeeze %dma_wait3A_541 : memref<1x!tpu.dma_semaphore, #tpu.memory_space<semaphore_mem>> -> memref<!tpu.dma_semaphore, #tpu.memory_space<semaphore_mem>>
    %dma_wait3A_543 = arith.constant 0 : i32
    %dma_wait3A_544 = tpu.memref_slice %arg4[%dma_wait3A_532, %mul3A_2, %dma_wait3A_543] : memref<50x4096x128xf32, #tpu.memory_space<hbm>> -> memref<1x128x128xf32, #tpu.memory_space<hbm>>
    %dma_wait3A_545 = tpu.memref_squeeze %dma_wait3A_544 : memref<1x128x128xf32, #tpu.memory_space<hbm>> -> memref<128x128xf32, #tpu.memory_space<hbm>>
    %dma_wait3A_546 = arith.constant 0 : i32
    %dma_wait3A_547 = arith.constant 0 : i32
    %dma_wait3A_548 = tpu.memref_slice %arg6[%dma_wait3A_531, %dma_wait3A_546, %dma_wait3A_547] : memref<6x128x128xf32, #tpu.memory_space<vmem>> -> memref<1x128x128xf32, #tpu.memory_space<vmem>>
    %dma_wait3A_549 = tpu.memref_squeeze %dma_wait3A_548 : memref<1x128x128xf32, #tpu.memory_space<vmem>> -> memref<128x128xf32, #tpu.memory_space<vmem>>
    tpu.wait_dma2 semaphore(%dma_wait3A_542 : memref<!tpu.dma_semaphore, #tpu.memory_space<semaphore_mem>>) src(%dma_wait3A_549 : memref<128x128xf32, #tpu.memory_space<vmem>>) dst(%dma_wait3A_545 : memref<128x128xf32, #tpu.memory_space<hbm>>)
    return
  }
}

</mosaic_0001>

<sc_bundles>
// kernel: kernel.3.cloned.1.call-start
scs
__scs_entry_jumppad:
0x0: {  	(pc) =	sbr.rel $0x88, $3  }
0x1: {  	(tag) =	ssettag $0x0;
	lr =	simm.s32 $0x1  }
0x2: {  	[smem:$0x3F9F] =	sst lr;
	_ =	strace $0xD0000000  }
0x3: {  	_ = 	snop  }
0x4: {  	_ = 	snop  }
0x5: {  	_ = 	snop  }
0x6: {  	_ = 	snop  }
0x7: {  	_ = 	snop  }
__scs_overlays_trampoline_lowered:
0x8: {  	[smem:$0x3FAE] =	sst s0  }
0x9: {  	[smem:$0x3FAF] =	sst s1  }
0xa: {  	[smem:$0x3FB0] =	sst s2  }
0xb: {  	[smem:$0x3FB1] =	sst s3  }
0xc: {  	[smem:$0x3FB2] =	sst s4  }
0xd: {  	[smem:$0x3FB3] =	sst s5  }
0xe: {  	[smem:$0x3FB4] =	sst s6  }
0xf: {  	[smem:$0x3FB5] =	sst s7  }
0x10: {  	[smem:$0x3FB6] =	sst s8  }
0x11: {  	[smem:$0x3FB7] =	sst s9;
	s0 =	simm.s32 @!p0 $0x0  }
0x12: {  	s1 =	sld [smem:$0x3F9D];
	s0 =	simm.s32 @p0 $0x1  }
0x13: {  	[smem:$0x3FB8] =	sst s0;
	s0 =	simm.s32 @!p1 $0x0  }
0x14: {  	s2 =	sld [smem:$0x3F9C];
	s0 =	simm.s32 @p1 $0x1  }
0x15: {  	[smem:$0x3FB9] =	sst s0;
	s0 =	simm.s32 @!p2 $0x0  }
0x16: {  	s3 =	sld [smem:$0x3FDB];
	s0 =	simm.s32 @p2 $0x1  }
0x17: {  	s4 =	simm.s32 $0x1BF5;
	[smem:$0x3FBB] =	sst s0  }
0x18: {  	s0 =	sld [smem:$0x3F9E];
	_ =	swait.ge [sflag:s4], $0x0  }
0x19: {  	s7 =	sld [smem:$0x3F9F]  }
0x1a: {  	s8 =	sadd.s32 $0xFFFFE003, lr  }
0x1b: {  	s9 =	sadd.s32 $0xFFFFFEF7, lr;
	s5 =	simm.s32 $0xFFFFFFFF;
	p2 =	slt.u32 s8, $0xFFFFF086  }
0x1c: {  	p1 =	slt.u32 s9, $0xF7A;
	s5 =	simm.s32 @!p2 $0x0  }
0x1d: {  	s5 =	simm.s32 @p1 $0x1;
	p0 =	seq.s32 s7, s2  }
0x1e: {  	s7 =	smul.u32 @!p0 $0xF7A, s2;
	p2 =	seq.s32 @!p0 s5, $0x0  }
0x1f: {  	s9 =	smul.u32 $0xF7A, s1;
	s8 =	simm.s32 @!p0 $0x1BF5;
	p2 =	por !p2, p0  }
0x20: {  	[sflag:s8] =	ssyncset.s32 @!p0 $0xFFFFF086;
	s6 =	sadd.s32 @!p0 s3, s7;
	s7 =	simm.s32 @!p0 $0x108  }
0x21: {  	s3 =	sadd.s32 s3, s9;
	s6 =	sadd.s32 @!p0 $0x88, s6;
	s7 =	simm.s32 @p2 $0x1082  }
0x22: {  	[simem:s7], [sflag:s8] =	dma.local @!p0 [hbm:s6], $0xF7A  }
0x23: {  	s9 =	sor.u32 $0xD0000000, s2;
	s6 =	simm.s32 $0x108;
	_ =	swait.ge @!p0 [sflag:s8], $0x0  }
0x24: {  	s3 =	sadd.s32 $0x88, s3;
	s6 =	simm.s32 @!p1 $0x1082;
	[sflag:s4] =	ssyncset.s32 $0xFFFFF086  }
0x25: {  	[simem:s6], [sflag:s4] =	dma.local [hbm:s3], $0xF7A  }
0x26: {  	[smem:$0x3F9F] =	sst s1;
	(tag) =	ssettag s2;
	_ =	strace s9  }
0x27: {  	s1 =	sld [smem:$0x3FAF]  }
0x28: {  	s2 =	sld [smem:$0x3FB0]  }
0x29: {  	s4 =	sld [smem:$0x3FB2]  }
0x2a: {  	p0 =	seq.s32 s5, $0x0;
	s5 =	sld [smem:$0x3FB3]  }
0x2b: {  	s6 =	sld [smem:$0x3FB4]  }
0x2c: {  	s7 =	sld [smem:$0x3FB5]  }
0x2d: {  	s3 =	simm.s32 $0x108;
	s8 =	sld [smem:$0x3FB6]  }
0x2e: {  	s3 =	simm.s32 @!p0 $0x1082;
	s9 =	sld [smem:$0x3FB7]  }
0x2f: {  	lr =	sadd.s32 s0, s3;
	s0 =	sld [smem:$0x3FAE]  }
0x30: {  	s3 =	sld [smem:$0x3FB1]  }
0x31: {  	[smem:$0x3FBA] =	sst s10  }
0x32: {  	s10 =	sld [smem:$0x3FB8];
	_ =	sdelay $0x3  }
0x33: {  	p0 =	seq.s32 s10, $0x1;
	s10 =	sld [smem:$0x3FBA];
	_ =	sdelay $0x3  }
0x34: {  	[smem:$0x3FBA] =	sst s10  }
0x35: {  	s10 =	sld [smem:$0x3FB9];
	_ =	sdelay $0x3  }
0x36: {  	p1 =	seq.s32 s10, $0x1;
	s10 =	sld [smem:$0x3FBA];
	_ =	sdelay $0x3  }
0x37: {  	[smem:$0x3FBA] =	sst s10  }
0x38: {  	s10 =	sld [smem:$0x3FBB]  }
0x39: {  	_ = 	snop;
	(pc) =	sbr.ind lr, $3  }
0x3a: {  	_ = 	snop  }
0x3b: {  	_ = 	snop  }
0x3c: {  	p2 =	seq.s32 s10, $0x1;
	s10 =	sld [smem:$0x3FBA]  }
0x3d: {  	_ =	shalt  }
0x3e: {  	_ =	shalt  }
0x3f: {  	_ =	shalt  }
0x40: {  	_ =	shalt  }
0x41: {  	_ =	shalt  }
0x42: {  	_ =	shalt  }
0x43: {  	_ =	shalt  }
0x44: {  	_ =	shalt  }
0x45: {  	_ =	shalt  }
0x46: {  	_ =	shalt  }
0x47: {  	_ =	shalt  }
0x48: {  	_ =	shalt  }
0x49: {  	_ =	shalt  }
0x4a: {  	_ =	shalt  }
0x4b: {  	_ =	shalt  }
0x4c: {  	_ =	shalt  }
0x4d: {  	_ =	shalt  }
0x4e: {  	_ =	shalt  }
0x4f: {  	_ =	shalt  }
0x50: {  	_ =	shalt  }
0x51: {  	_ =	shalt  }
0x52: {  	_ =	shalt  }
0x53: {  	_ =	shalt  }
0x54: {  	_ =	shalt  }
0x55: {  	_ =	shalt  }
0x56: {  	_ =	shalt  }
0x57: {  	_ =	shalt  }
0x58: {  	_ =	shalt  }
0x59: {  	_ =	shalt  }
0x5a: {  	_ =	shalt  }
0x5b: {  	_ =	shalt  }
0x5c: {  	_ =	shalt  }
0x5d: {  	_ =	shalt  }
0x5e: {  	_ =	shalt  }
0x5f: {  	_ =	shalt  }
0x60: {  	_ =	shalt  }
0x61: {  	_ =	shalt  }
0x62: {  	_ =	shalt  }
0x63: {  	_ =	shalt  }
0x64: {  	_ =	shalt  }
0x65: {  	_ =	shalt  }
0x66: {  	_ =	shalt  }
0x67: {  	_ =	shalt  }
0x68: {  	_ =	shalt  }
0x69: {  	_ =	shalt  }
0x6a: {  	_ =	shalt  }
0x6b: {  	_ =	shalt  }
0x6c: {  	_ =	shalt  }
0x6d: {  	_ =	shalt  }
0x6e: {  	_ =	shalt  }
0x6f: {  	_ =	shalt  }
0x70: {  	_ =	shalt  }
0x71: {  	_ =	shalt  }
0x72: {  	_ =	shalt  }
0x73: {  	_ =	shalt  }
0x74: {  	_ =	shalt  }
0x75: {  	_ =	shalt  }
0x76: {  	_ =	shalt  }
0x77: {  	_ =	shalt  }
0x78: {  	_ =	shalt  }
0x79: {  	_ =	shalt  }
0x7a: {  	_ =	shalt  }
0x7b: {  	_ =	shalt  }
0x7c: {  	_ =	shalt  }
0x7d: {  	_ =	shalt  }
0x7e: {  	_ =	shalt  }
0x7f: {  	_ =	shalt  }
0x80: {  	_ =	shalt  }
0x81: {  	_ =	shalt  }
0x82: {  	_ =	shalt  }
0x83: {  	_ =	shalt  }
0x84: {  	_ =	shalt  }
0x85: {  	_ =	shalt  }
0x86: {  	_ =	shalt  }
0x87: {  	_ =	shalt  }
.Lfunc_end0:
.L_simem_size_0:
called_computation_lowered:
.L_overlay_start_0:
0x88: {  	s2 =	sld [smem:$0x3FD9]  }
0x89: {  	s3 =	sld [smem:$0x3FFE];
	_ =	sdelay $0x1  }
0x8a: {  	s1 =	srdreg.scid  }
0x8b: {  	s0 =	sand.u32 $0x1, s1  }
0x8c: {  	s17 =	sshll.u32 s0, $0xA;
	s2 =	sadd.s32 s3, s2  }
0x8d: {  	s2 =	sadd.s32 s2, s17  }
0x8e: {  	[smem:$0x3FC6] =	sst s2  }
0x8f: {  	_ = 	snop  }
0x90: {  	s2 =	sld [smem:$0x3FC8]  }
0x91: {  	s18 =	sld [smem:$0x3FD0];
	(tm) =	ssettm $0x1  }
0x92: {  	s4 =	sld [smem:$0x3FFB];
	_ =	sdelay $0x3  }
0x93: {  	_ =	strace s4  }
0x94: {  	s4 =	sld [smem:$0x3FFC];
	_ =	sdelay $0x3  }
0x95: {  	_ =	strace s4  }
0x96: {  	s4 =	sld [smem:$0x3FFD];
	_ =	sdelay $0x3  }
0x97: {  	_ =	strace s4  }
0x98: {  	_ =	strace $0x8FFFFFFF  }
0x99: {  	s19 =	sld [smem:$0x3FDB];
	_ =	sdelay $0x1  }
0x9a: {  	s5 =	simm.s32 $_scs_section_size  }
0x9b: {  	s6 =	simm.s32 $_size__tile_overlayer_lowered;
	s7 =	simm.s32 $_tile_overlayer_lowered  }
0x9c: {  	s22 =	simm.s32 $0x1BFF;
	s21 =	sshll.u32 s7, $0x1;
	s4 =	sadd.s32 s5, s19  }
0x9d: {  	s8 =	simm.s32 $0x0;
	s20 =	sshll.u32 s6, $0x1;
	s6 =	sadd.s32 s21, s4  }
0x9e: {  	[timem:s8], [sflag:s22] =	dma.local [hbm:s6], s20  }
0x9f: {  	_ =	swait.ge [sflag:s22], s20  }
0xa0: {  	s5 =	ssub.s32 $0x0, s20;
	[sflag:s22] =	ssyncset.done $0x0  }
0xa1: {  	[sflag:s22] =	ssyncadd.s32 s5;
	_ =	sdelay $0x1  }
0xa2: {  	s23 =	simm.s32 $0x1B8B  }
0xa3: {  	_ =	swait.ge [sflag:s23], $0x1  }
0xa4: {  	[sflag:s23] =	ssyncset.done $0x0  }
0xa5: {  	s25 =	simm.s32 $0x1B8E;
	s24 =	sld [smem:$0x3FFE];
	[sflag:s23] =	ssyncadd.s32 $0xFFFFFFFF  }
0xa6: {  	s26 =	simm.s32 $execute0_lowered;
	[smem:$0x3FD2] =	sst s25  }
0xa7: {  	s6 =	sshll.u32 s26, $0x1;
	_ =	strace $0x80000046;
	[dreg:$0x1] =	wrdreg $0xFFFFFFFF  }
0xa8: {  	s28 =	simm.s32 $_size_execute0_lowered;
	s4 =	sadd.s32 s4, s6;
	[dreg:$0x0] =	wrdreg $0x0  }
0xa9: {  	s6 =	sshll.u32 s28, $0x1;
	[dreg:$0x2] =	wrdreg s4  }
0xaa: {  	[dreg:$0x3] =	wrdreg s6  }
0xab: {  	[dreg:$0x4] =	wrdreg $0xC0  }
0xac: {  	_ =	task [dreg:s8], $0x5FFFF  }
0xad: {  	[dreg:$0x1] =	wrdreg $0xFFFFFFFF  }
0xae: {  	[dreg:$0x0] =	wrdreg $0x60  }
0xaf: {  	[dreg:$0x2] =	wrdreg s24  }
0xb0: {  	[dreg:$0x3] =	wrdreg s2  }
0xb1: {  	[dreg:$0x4] =	wrdreg s18  }
0xb2: {  	[dreg:$0x5] =	wrdreg $0x9  }
0xb3: {  	_ =	task.clear_ibuf [dreg:s8], $0x6FFFF;
	_ =	strace $0x90000046  }
0xb4: {  	s29 =	simm.s32 $0x9;
	_ =	strace $0x80000048  }
0xb5: {  	_ =	swait.ge [sflag:s29], $0x1  }
0xb6: {  	[sflag:s29] =	ssyncadd.s32 $0xFFFFFFFF  }
0xb7: {  	_ =	strace $0x90000048  }
0xb8: {  	_ =	sfence  }
0xb9: {  	s30 =	sld [smem:$0x0];
	_ =	sdelay $0x2  }
0xba: {  	s31 =	sshll.u32 s1, $0xD;
	s1 =	sshrl.u32 s1, $0x2  }
0xbb: {  	s3 =	sand.u32 $0x4000, s31;
	s1 =	sadd.s32 s1, s30  }
0xbc: {  	s0 =	sor.u32 s3, s0;
	s1 =	sshll.u32 s1, $0x11  }
0xbd: {  	s0 =	sor.u32 s1, s0  }
0xbe: {  	s0 =	sadd.s32 $0x8F2B, s0  }
0xbf: {  	[sflag:s0] =	ssyncadd.remote.s32 $0x1  }
0xc0: {  	_ =	sfence.sel $0xFFFF  }
0xc1: {  	[dreg:$0x0] =	wrdreg $0xFFFFFFFF;
	(pc) =	sbr.abs _section_cstart, $3  }
0xc2: {  	[dreg:$0x1] =	wrdreg $0xFFFFFFFF  }
0xc3: {  	_ =	task.clear_ibuf [dreg:s8], $0x2FFFF;
	_ =	strace $0x9FFFFFFF  }
0xc4: {  	(tm) =	ssettm $0x7FFFFFFF  }
0xc5: {  	_ =	shalt  }
tec
execute0_lowered:
.L_overlay_start_1:
0x0: {  	(tag) =	ssettag $0x1  }
0x1: {  	s0 =	rddreg [dreg:$0x0]  }
0x2: {  	s2 =	rddreg [dreg:$0x1];
	s1 =	srdreg.scid  }
0x3: {  	s3 =	stileid.u32;
	s21 =	rddreg [dreg:$0x2]  }
0x4: {  	s4 =	simm.s32 $0x0;
	s1 =	sand.u32 $0x1, s1;
	s5 =	sshll.u32 s3, $0x1  }
0x5: {  	s31 =	simm.s32 $0x3;
	s30 =	simm.s32 $0x11C00;
	s5 =	sor.u32 s1, s5  }
0x6: {  	s29 =	simm.s32 $0x9C00;
	s6 =	smul.u32 $0x380, s5;
	s5 =	sshll.u32 s5, $0xB  }
0x7: {  	[smem:$0x7FF] =	sst s4;
	s13 =	sshll.u32 s3, $0xF;
	s5 =	sadd.s32 s21, s5  }
0x8: {  	_ =	strace $0x80000047;
	s9 =	sadd.s32 $0x10000, s5;
	[dreg:$0x5] =	wrdreg s5  }
0x9: {  	s7 =	ssub.s32 $0x2, s1;
	s10 =	sadd.s32 $0x20000, s5;
	[dreg:$0x6] =	wrdreg s9  }
0xa: {  	s1 =	sshll.u32 s1, $0xE;
	s11 =	sadd.s32 $0x2D0000, s5;
	[dreg:$0x7] =	wrdreg s10  }
0xb: {  	s8 =	sshrl.u32 s7, $0x1;
	s12 =	sadd.s32 $0x2E0000, s5;
	[dreg:$0x8] =	wrdreg s11  }
0xc: {  	s0 =	sadd.s32 s6, s0;
	s14 =	sadd.s32 $0x2F0000, s5;
	[dreg:$0x9] =	wrdreg s12  }
0xd: {  	s6 =	ssub.s32 s7, s8;
	s15 =	sadd.s32 $0x300000, s5;
	[dreg:$0xa] =	wrdreg s14  }
0xe: {  	s16 =	sadd.s32 $0x310000, s5;
	s7 =	simm.s32 $0x8;
	[dreg:$0xb] =	wrdreg s15  }
0xf: {  	s8 =	simm.s32 $0x5;
	s0 =	sadd.s32 $0x400, s0;
	[dreg:$0xc] =	wrdreg s16  }
0x10: {  	s19 =	smax.u32 s6, $0x1;
	s9 =	simm.s32 $0x9;
	s10 =	simm.s32 $0x6  }
0x11: {  	s11 =	simm.s32 $0xA;
	s12 =	simm.s32 $0xB;
	[dreg:$0x4] =	wrdreg s0  }
0x12: {  	s0 =	sor.u32 s1, s13;
	[dreg:$0xd] =	wrdreg s19;
	s13 =	simm.s32 $0xC  }
0x13: {  	s17 =	sor.u32 $0x280000, s0;
	s18 =	sor.u32 $0x200000, s0;
	s22 =	sor.u32 $0x180000, s0  }
0x14: {  	s23 =	sor.u32 $0x400000, s0;
	s24 =	sor.u32 $0x380000, s0;
	s0 =	sor.u32 $0x300000, s0  }
0x15: {  	s1 =	sshrl.u32 s17, $0x3;
	s5 =	sshrl.u32 s18, $0x3;
	s25 =	sshrl.u32 s23, $0x3  }
0x16: {  	s26 =	sshrl.u32 s24, $0x3;
	[dreg:$0x13] =	wrdreg s0;
	s1 =	sadd.s32 s1, s21  }
0x17: {  	s0 =	simm.s32 $0x2;
	s20 =	sadd.s32 s5, s21;
	[dreg:$0xe] =	wrdreg s1  }
0x18: {  	s28 =	sadd.s32 s26, s21;
	[dreg:$0xf] =	wrdreg s20;
	s1 =	sshrl.u32 s22, $0x3  }
0x19: {  	s5 =	simm.s32 $0x4;
	[dreg:$0x12] =	wrdreg s28;
	s1 =	sadd.s32 s1, s21  }
0x1a: {  	s22 =	simm.s32 $0x80;
	[dreg:$0x10] =	wrdreg s1;
	s1 =	sadd.s32 s25, s21  }
0x1b: {  	s25 =	simm.s32 $0x7;
	[dreg:$0x11] =	wrdreg s1;
	s1 =	simm.s32 $0x0  }
.LBB2_1:
0x1c: {  	[dreg:$0x14] =	wrdreg s1  }
0x1d: {  	s3 =	rddreg [dreg:$0x4];
	s20 =	simm.s32 $0xD  }
0x1e: {  	[tilespmem:s4], [sflag:$0xD] =	stream.linear.gather [hbm4b:s3+s4], $0x1900, $0x38;
	[tilespmem:$0x19C00] =	vst v63  }
0x1f: {  	_ =	swait.ge [sflag:s20], $0x1900  }
0x20: {  	[sflag:s20] =	ssyncset.done $0x0  }
0x21: {  	s14 =	simm.s32 $0x1C00;
	[sflag:s20] =	ssyncadd.s32 $0xFFFFE700  }
0x22: {  	[tilespmem:s14], [sflag:$0x1] =	stream.indirect.gather [hbm4b:s2+s22], $0x80, s4, s22, $0xb8;
	[tilespmem:$0x19C00] =	vst v63  }
0x23: {  	s19 =	simm.s32 $0x5C00  }
0x24: {  	[tilespmem:s19], [sflag:$0x2] =	stream.indirect.gather [hbm4b:s2+s22], $0x80, s22, s22, $0xb8;
	[tilespmem:$0x19C00] =	vst v63  }
0x25: {  	s23 =	simm.s32 $0x100;
	s15 =	simm.s32 $0x9C00  }
0x26: {  	[tilespmem:s15], [sflag:$0x3] =	stream.indirect.gather [hbm4b:s2+s22], $0x80, s23, s22, $0xb8;
	[tilespmem:$0x19C00] =	vst v63  }
0x27: {  	s24 =	simm.s32 $0x180;
	s17 =	simm.s32 $0xDC00;
	s23 =	simm.s32 $0x1  }
0x28: {  	[tilespmem:s17], [sflag:$0x4] =	stream.indirect.gather [hbm4b:s2+s22], $0x80, s24, s22, $0xb8;
	[tilespmem:$0x19C00] =	vst v63  }
0x29: {  	_ =	swait.ge [sflag:s23], $0x4000  }
0x2a: {  	[sflag:s23] =	ssyncset.done $0x0  }
0x2b: {  	s26 =	rddreg [dreg:$0x5];
	[sflag:s23] =	ssyncadd.s32 $0xFFFFC000  }
0x2c: {  	[hbm4b:s26+s4] =	stream.linear.scatter [tilespmem:s14], [sflag:$0x7], $0x4000, $0x38;
	[tilespmem:$0x19C00] =	vst v63  }
0x2d: {  	s28 =	simm.s32 $0x200;
	s20 =	simm.s32 $0x11C00  }
0x2e: {  	[tilespmem:s20], [sflag:$0x5] =	stream.indirect.gather [hbm4b:s2+s22], $0x80, s28, s22, $0xb8;
	[tilespmem:$0x19C00] =	vst v63  }
0x2f: {  	_ =	swait.ge [sflag:s0], $0x4000  }
0x30: {  	[sflag:s0] =	ssyncset.done $0x0  }
0x31: {  	s1 =	rddreg [dreg:$0x6];
	[sflag:s0] =	ssyncadd.s32 $0xFFFFC000  }
0x32: {  	[hbm4b:s1+s4] =	stream.linear.scatter [tilespmem:s19], [sflag:$0x8], $0x4000, $0x38;
	[tilespmem:$0x19C00] =	vst v63  }
0x33: {  	s6 =	simm.s32 $0x280;
	s24 =	simm.s32 $0x15C00  }
0x34: {  	[tilespmem:s24], [sflag:$0x6] =	stream.indirect.gather [hbm4b:s2+s22], $0x80, s6, s22, $0xb8;
	[tilespmem:$0x19C00] =	vst v63  }
0x35: {  	_ =	swait.ge [sflag:s31], $0x4000  }
0x36: {  	[sflag:s31] =	ssyncset.done $0x0  }
0x37: {  	s16 =	rddreg [dreg:$0x7];
	[sflag:s31] =	ssyncadd.s32 $0xFFFFC000  }
0x38: {  	[hbm4b:s16+s4] =	stream.linear.scatter [tilespmem:s15], [sflag:$0x9], $0x4000, $0x38;
	[tilespmem:$0x19C00] =	vst v63  }
0x39: {  	_ =	swait.ge [sflag:s25], $0x4000  }
0x3a: {  	[sflag:s25] =	ssyncset.done $0x0  }
0x3b: {  	s6 =	simm.s32 $0x300;
	[sflag:s25] =	ssyncadd.s32 $0xFFFFC000  }
0x3c: {  	[tilespmem:s14], [sflag:$0x1] =	stream.indirect.gather [hbm4b:s2+s22], $0x80, s6, s22, $0xb8;
	[tilespmem:$0x19C00] =	vst v63  }
0x3d: {  	_ =	swait.ge [sflag:s5], $0x4000  }
0x3e: {  	[sflag:s5] =	ssyncset.done $0x0  }
0x3f: {  	s16 =	rddreg [dreg:$0x10];
	[sflag:s5] =	ssyncadd.s32 $0xFFFFC000  }
0x40: {  	[hbm4b:s16+s4] =	stream.linear.scatter [tilespmem:s17], [sflag:$0xA], $0x4000, $0x38;
	[tilespmem:$0x19C00] =	vst v63  }
0x41: {  	_ =	swait.ge [sflag:s7], $0x4000  }
0x42: {  	[sflag:s7] =	ssyncset.done $0x0  }
0x43: {  	s18 =	simm.s32 $0x380;
	[sflag:s7] =	ssyncadd.s32 $0xFFFFC000  }
0x44: {  	[tilespmem:s19], [sflag:$0x2] =	stream.indirect.gather [hbm4b:s2+s22], $0x80, s18, s22, $0xb8;
	[tilespmem:$0x19C00] =	vst v63  }
0x45: {  	_ =	swait.ge [sflag:s8], $0x4000  }
0x46: {  	[sflag:s8] =	ssyncset.done $0x0  }
0x47: {  	s18 =	rddreg [dreg:$0xf];
	[sflag:s8] =	ssyncadd.s32 $0xFFFFC000  }
0x48: {  	[hbm4b:s18+s4] =	stream.linear.scatter [tilespmem:s20], [sflag:$0xB], $0x4000, $0x38;
	[tilespmem:$0x19C00] =	vst v63  }
0x49: {  	_ =	swait.ge [sflag:s9], $0x4000  }
0x4a: {  	[sflag:s9] =	ssyncset.done $0x0  }
0x4b: {  	s26 =	simm.s32 $0x400;
	[sflag:s9] =	ssyncadd.s32 $0xFFFFC000  }
0x4c: {  	[tilespmem:s15], [sflag:$0x3] =	stream.indirect.gather [hbm4b:s2+s22], $0x80, s26, s22, $0xb8;
	[tilespmem:$0x19C00] =	vst v63  }
0x4d: {  	_ =	swait.ge [sflag:s10], $0x4000  }
0x4e: {  	[sflag:s10] =	ssyncset.done $0x0  }
0x4f: {  	s3 =	rddreg [dreg:$0xe];
	[sflag:s10] =	ssyncadd.s32 $0xFFFFC000  }
0x50: {  	[hbm4b:s3+s4] =	stream.linear.scatter [tilespmem:s24], [sflag:$0xC], $0x4000, $0x38;
	[tilespmem:$0x19C00] =	vst v63  }
0x51: {  	_ =	swait.ge [sflag:s11], $0x4000  }
0x52: {  	[sflag:s11] =	ssyncset.done $0x0  }
0x53: {  	s28 =	simm.s32 $0x480;
	[sflag:s11] =	ssyncadd.s32 $0xFFFFC000  }
0x54: {  	[tilespmem:s17], [sflag:$0x4] =	stream.indirect.gather [hbm4b:s2+s22], $0x80, s28, s22, $0xb8;
	[tilespmem:$0x19C00] =	vst v63  }
0x55: {  	_ =	swait.ge [sflag:s23], $0x4000  }
0x56: {  	s1 =	rddreg [dreg:$0x13]  }
0x57: {  	[sflag:s23] =	ssyncset.done $0x0;
	s15 =	sshrl.u32 s1, $0x3  }
0x58: {  	[sflag:s23] =	ssyncadd.s32 $0xFFFFC000;
	s6 =	sadd.s32 s21, s15  }
0x59: {  	[hbm4b:s6+s4] =	stream.linear.scatter [tilespmem:s14], [sflag:$0x7], $0x4000, $0x38;
	[tilespmem:$0x19C00] =	vst v63  }
0x5a: {  	_ =	swait.ge [sflag:s12], $0x4000  }
0x5b: {  	[sflag:s12] =	ssyncset.done $0x0  }
0x5c: {  	s21 =	simm.s32 $0x500;
	[sflag:s12] =	ssyncadd.s32 $0xFFFFC000  }
0x5d: {  	[tilespmem:s20], [sflag:$0x5] =	stream.indirect.gather [hbm4b:s2+s22], $0x80, s21, s22, $0xb8;
	[tilespmem:$0x19C00] =	vst v63  }
0x5e: {  	_ =	swait.ge [sflag:s0], $0x4000  }
0x5f: {  	[sflag:s0] =	ssyncset.done $0x0  }
0x60: {  	s23 =	rddreg [dreg:$0x12];
	[sflag:s0] =	ssyncadd.s32 $0xFFFFC000  }
0x61: {  	[hbm4b:s23+s4] =	stream.linear.scatter [tilespmem:s19], [sflag:$0x8], $0x4000, $0x38;
	[tilespmem:$0x19C00] =	vst v63  }
0x62: {  	_ =	swait.ge [sflag:s13], $0x4000  }
0x63: {  	s16 =	sadd.s32 $0x60000, s16;
	s26 =	simm.s32 $0x580;
	[sflag:s13] =	ssyncset.done $0x0  }
0x64: {  	s15 =	sadd.s32 $0x300000, s1;
	s6 =	simm.s32 $0xC00;
	[sflag:s13] =	ssyncadd.s32 $0xFFFFC000  }
0x65: {  	[tilespmem:s24], [sflag:$0x6] =	stream.indirect.gather [hbm4b:s2+s22], $0x80, s26, s22, $0xb8;
	[tilespmem:$0x19C00] =	vst v63  }
0x66: {  	s20 =	sadd.s32 $0x60000, s18;
	s21 =	sadd.s32 $0x60000, s23;
	_ =	swait.ge [sflag:s31], $0x4000  }
0x67: {  	s19 =	sadd.s32 $0x60000, s3;
	[sflag:s31] =	ssyncset.done $0x0;
	s28 =	rddreg [dreg:$0x11]  }
0x68: {  	s17 =	sadd.s32 $0x60000, s28;
	[sflag:s31] =	ssyncadd.s32 $0xFFFFC000;
	s18 =	smov.u32 s28  }
.LBB2_2:
0x69: {  	s1 =	simm.s32 $0x9C00  }
0x6a: {  	[hbm4b:s18+s4] =	stream.linear.scatter [tilespmem:s1], [sflag:$0x9], $0x4000, $0x38;
	[tilespmem:$0x19C00] =	vst v63  }
0x6b: {  	s14 =	smov.u32 s6;
	_ =	swait.ge [sflag:s25], $0x4000  }
0x6c: {  	s14 =	sshra.s32 s14, $0x2;
	[sflag:s25] =	ssyncset.done $0x0  }
0x6d: {  	s24 =	simm.s32 $0x1C00;
	s3 =	sadd.s32 $0x300, s14;
	[sflag:s25] =	ssyncadd.s32 $0xFFFFC000  }
0x6e: {  	[tilespmem:s24], [sflag:$0x1] =	stream.indirect.gather [hbm4b:s2+s22], $0x80, s3, s22, $0xb8;
	[tilespmem:$0x19C00] =	vst v63  }
0x6f: {  	_ =	swait.ge [sflag:s5], $0x4000  }
0x70: {  	[sflag:s5] =	ssyncset.done $0x0  }
0x71: {  	s28 =	simm.s32 $0xDC00;
	[sflag:s5] =	ssyncadd.s32 $0xFFFFC000  }
0x72: {  	[hbm4b:s16+s4] =	stream.linear.scatter [tilespmem:s28], [sflag:$0xA], $0x4000, $0x38;
	[tilespmem:$0x19C00] =	vst v63  }
0x73: {  	_ =	swait.ge [sflag:s7], $0x4000  }
0x74: {  	[sflag:s7] =	ssyncset.done $0x0  }
0x75: {  	s26 =	simm.s32 $0x5C00;
	s23 =	sadd.s32 $0x380, s14;
	[sflag:s7] =	ssyncadd.s32 $0xFFFFC000  }
0x76: {  	[tilespmem:s26], [sflag:$0x2] =	stream.indirect.gather [hbm4b:s2+s22], $0x80, s23, s22, $0xb8;
	[tilespmem:$0x19C00] =	vst v63  }
0x77: {  	_ =	swait.ge [sflag:s8], $0x4000  }
0x78: {  	[sflag:s8] =	ssyncset.done $0x0  }
0x79: {  	[sflag:s8] =	ssyncadd.s32 $0xFFFFC000  }
0x7a: {  	[hbm4b:s20+s4] =	stream.linear.scatter [tilespmem:s30], [sflag:$0xB], $0x4000, $0x38;
	[tilespmem:$0x19C00] =	vst v63  }
0x7b: {  	_ =	swait.ge [sflag:s9], $0x4000  }
0x7c: {  	[sflag:s9] =	ssyncset.done $0x0  }
0x7d: {  	s23 =	sadd.s32 $0x400, s14;
	[sflag:s9] =	ssyncadd.s32 $0xFFFFC000  }
0x7e: {  	[tilespmem:s1], [sflag:$0x3] =	stream.indirect.gather [hbm4b:s2+s22], $0x80, s23, s22, $0xb8;
	[tilespmem:$0x19C00] =	vst v63  }
0x7f: {  	_ =	swait.ge [sflag:s10], $0x4000  }
0x80: {  	[sflag:s10] =	ssyncset.done $0x0  }
0x81: {  	s23 =	simm.s32 $0x15C00;
	[sflag:s10] =	ssyncadd.s32 $0xFFFFC000  }
0x82: {  	[hbm4b:s19+s4] =	stream.linear.scatter [tilespmem:s23], [sflag:$0xC], $0x4000, $0x38;
	[tilespmem:$0x19C00] =	vst v63  }
0x83: {  	_ =	swait.ge [sflag:s11], $0x4000  }
0x84: {  	[sflag:s11] =	ssyncset.done $0x0  }
0x85: {  	s3 =	sadd.s32 $0x480, s14;
	[sflag:s11] =	ssyncadd.s32 $0xFFFFC000  }
0x86: {  	[tilespmem:s28], [sflag:$0x4] =	stream.indirect.gather [hbm4b:s2+s22], $0x80, s3, s22, $0xb8;
	[tilespmem:$0x19C00] =	vst v63  }
0x87: {  	s28 =	simm.s32 $0x1  }
0x88: {  	_ =	swait.ge [sflag:s28], $0x4000  }
0x89: {  	[sflag:s28] =	ssyncset.done $0x0  }
0x8a: {  	[sflag:s28] =	ssyncadd.s32 $0xFFFFC000  }
0x8b: {  	s3 =	sshrl.u32 s15, $0x3;
	s28 =	rddreg [dreg:$0x2]  }
0x8c: {  	s3 =	sadd.s32 s28, s3  }
0x8d: {  	[hbm4b:s3+s4] =	stream.linear.scatter [tilespmem:s24], [sflag:$0x7], $0x4000, $0x38;
	[tilespmem:$0x19C00] =	vst v63  }
0x8e: {  	_ =	swait.ge [sflag:s12], $0x4000  }
0x8f: {  	[sflag:s12] =	ssyncset.done $0x0  }
0x90: {  	s28 =	sadd.s32 $0x500, s14;
	[sflag:s12] =	ssyncadd.s32 $0xFFFFC000  }
0x91: {  	[tilespmem:s30], [sflag:$0x5] =	stream.indirect.gather [hbm4b:s2+s22], $0x80, s28, s22, $0xb8;
	[tilespmem:$0x19C00] =	vst v63  }
0x92: {  	_ =	swait.ge [sflag:s0], $0x4000  }
0x93: {  	[sflag:s0] =	ssyncset.done $0x0  }
0x94: {  	p0 =	sne.s32 s6, $0x4800;
	s6 =	sadd.s32 $0xC00, s6;
	[sflag:s0] =	ssyncadd.s32 $0xFFFFC000  }
0x95: {  	[hbm4b:s21+s4] =	stream.linear.scatter [tilespmem:s26], [sflag:$0x8], $0x4000, $0x38;
	[tilespmem:$0x19C00] =	vst v63  }
0x96: {  	s18 =	smov.u32 s17;
	s17 =	sadd.s32 $0x60000, s17;
	_ =	swait.ge [sflag:s13], $0x4000  }
0x97: {  	s16 =	sadd.s32 $0x60000, s16;
	s20 =	sadd.s32 $0x60000, s20;
	[sflag:s13] =	ssyncset.done $0x0  }
.Ltmp0:
0x98: {  	s28 =	sadd.s32 $0x580, s14;
	[sflag:s13] =	ssyncadd.s32 $0xFFFFC000;
	(pc) =	sbr.rel @p0 .LBB2_2-.Ltmp0, $4  }
0x99: {  	[tilespmem:s23], [sflag:$0x6] =	stream.indirect.gather [hbm4b:s2+s22], $0x80, s28, s22, $0xb8;
	[tilespmem:$0x19C00] =	vst v63  }
0x9a: {  	s1 =	simm.s32 $0xDC00;
	s19 =	sadd.s32 $0x60000, s19;
	_ =	swait.ge [sflag:s31], $0x4000  }
0x9b: {  	s15 =	sadd.s32 $0x300000, s15;
	s24 =	simm.s32 $0x11C00;
	[sflag:s31] =	ssyncset.done $0x0  }
0x9c: {  	s26 =	simm.s32 $0x15C00;
	s21 =	sadd.s32 $0x60000, s21;
	[sflag:s31] =	ssyncadd.s32 $0xFFFFC000  }
0x9d: {  	[hbm4b:s18+s4] =	stream.linear.scatter [tilespmem:s29], [sflag:$0x9], $0x4000, $0x38;
	[tilespmem:$0x19C00] =	vst v63  }
0x9e: {  	_ =	swait.ge [sflag:s25], $0x4000  }
0x9f: {  	[sflag:s25] =	ssyncset.done $0x0  }
0xa0: {  	s6 =	simm.s32 $0x1C00;
	s3 =	simm.s32 $0x1800;
	[sflag:s25] =	ssyncadd.s32 $0xFFFFC000  }
0xa1: {  	[tilespmem:s6], [sflag:$0x1] =	stream.indirect.gather [hbm4b:s2+s22], $0x80, s3, s22, $0xb8;
	[tilespmem:$0x19C00] =	vst v63  }
0xa2: {  	_ =	swait.ge [sflag:s5], $0x4000  }
0xa3: {  	[sflag:s5] =	ssyncset.done $0x0  }
0xa4: {  	s17 =	rddreg [dreg:$0x8];
	[sflag:s5] =	ssyncadd.s32 $0xFFFFC000  }
0xa5: {  	[hbm4b:s17+s4] =	stream.linear.scatter [tilespmem:s1], [sflag:$0xA], $0x4000, $0x38;
	[tilespmem:$0x19C00] =	vst v63  }
0xa6: {  	_ =	swait.ge [sflag:s7], $0x4000  }
0xa7: {  	[sflag:s7] =	ssyncset.done $0x0  }
0xa8: {  	s14 =	simm.s32 $0x5C00;
	s18 =	simm.s32 $0x1880;
	[sflag:s7] =	ssyncadd.s32 $0xFFFFC000  }
0xa9: {  	[tilespmem:s14], [sflag:$0x2] =	stream.indirect.gather [hbm4b:s2+s22], $0x80, s18, s22, $0xb8;
	[tilespmem:$0x19C00] =	vst v63  }
0xaa: {  	_ =	swait.ge [sflag:s8], $0x4000  }
0xab: {  	[sflag:s8] =	ssyncset.done $0x0  }
0xac: {  	s19 =	rddreg [dreg:$0x9];
	[sflag:s8] =	ssyncadd.s32 $0xFFFFC000  }
0xad: {  	[hbm4b:s19+s4] =	stream.linear.scatter [tilespmem:s24], [sflag:$0xB], $0x4000, $0x38;
	[tilespmem:$0x19C00] =	vst v63  }
0xae: {  	_ =	swait.ge [sflag:s10], $0x4000  }
0xaf: {  	[sflag:s10] =	ssyncset.done $0x0  }
0xb0: {  	s21 =	simm.s32 $0x1;
	s20 =	rddreg [dreg:$0xa];
	[sflag:s10] =	ssyncadd.s32 $0xFFFFC000  }
0xb1: {  	[hbm4b:s20+s4] =	stream.linear.scatter [tilespmem:s26], [sflag:$0xC], $0x4000, $0x38;
	[tilespmem:$0x19C00] =	vst v63  }
0xb2: {  	_ =	swait.ge [sflag:s21], $0x4000  }
0xb3: {  	[sflag:s21] =	ssyncset.done $0x0  }
0xb4: {  	s23 =	rddreg [dreg:$0xb];
	[sflag:s21] =	ssyncadd.s32 $0xFFFFC000  }
0xb5: {  	[hbm4b:s23+s4] =	stream.linear.scatter [tilespmem:s6], [sflag:$0x7], $0x4000, $0x38;
	[tilespmem:$0x19C00] =	vst v63  }
0xb6: {  	_ =	swait.ge [sflag:s0], $0x4000  }
0xb7: {  	[sflag:s0] =	ssyncset.done $0x0  }
0xb8: {  	s24 =	rddreg [dreg:$0xc];
	[sflag:s0] =	ssyncadd.s32 $0xFFFFC000  }
0xb9: {  	[hbm4b:s24+s4] =	stream.linear.scatter [tilespmem:s14], [sflag:$0x8], $0x4000, $0x38;
	[tilespmem:$0x19C00] =	vst v63  }
0xba: {  	_ =	swait.ge [sflag:s25], $0x4000  }
0xbb: {  	[sflag:s25] =	ssyncset.done $0x0  }
0xbc: {  	[sflag:s25] =	ssyncadd.s32 $0xFFFFC000  }
0xbd: {  	_ =	swait.ge [sflag:s7], $0x4000  }
0xbe: {  	[sflag:s7] =	ssyncset.done $0x0  }
0xbf: {  	[sflag:s7] =	ssyncadd.s32 $0xFFFFC000  }
0xc0: {  	_ =	swait.ge [sflag:s9], $0x4000  }
0xc1: {  	[sflag:s9] =	ssyncset.done $0x0  }
0xc2: {  	[sflag:s9] =	ssyncadd.s32 $0xFFFFC000  }
0xc3: {  	_ =	swait.ge [sflag:s11], $0x4000  }
0xc4: {  	[sflag:s11] =	ssyncset.done $0x0  }
0xc5: {  	[sflag:s11] =	ssyncadd.s32 $0xFFFFC000  }
0xc6: {  	_ =	swait.ge [sflag:s12], $0x4000  }
0xc7: {  	[sflag:s12] =	ssyncset.done $0x0  }
0xc8: {  	[sflag:s12] =	ssyncadd.s32 $0xFFFFC000  }
0xc9: {  	_ =	swait.ge [sflag:s13], $0x4000  }
0xca: {  	s26 =	rddreg [dreg:$0x14]  }
0xcb: {  	s28 =	rddreg [dreg:$0xd];
	s1 =	sadd.s32 $0x1, s26  }
0xcc: {  	p0 =	sne.s32 s1, s28  }
.Ltmp1:
0xcd: {  	_ = 	snop;
	(pc) =	sbr.rel @p0 .LBB2_1-.Ltmp1, $4  }
0xce: {  	_ = 	snop  }
0xcf: {  	[sflag:s13] =	ssyncset.done $0x0  }
0xd0: {  	[sflag:s13] =	ssyncadd.s32 $0xFFFFC000  }
0xd1: {  	s21 =	rddreg [dreg:$0x2]  }
0xd2: {  	_ =	sfence.sel $0x180000  }
0xd3: {  	[bflag:$0x0] =	sbarrier.arrive $0xFFFF  }
0xd4: {  	_ =	strace $0x90000047  }
0xd5: {  	s0 =	stileid.u32;
	[bflag:$0x2] =	sbarrier.arrive $0xFFFF  }
0xd6: {  	p0 =	sne.s32 s0, $0x0;
	s0 =	rddreg [dreg:$0x3]  }
0xd7: {  	s0 =	sadd.s32 @!p0 $0x100000, s0  }
0xd8: {  	[sflag:s0] =	ssyncadd.tile.s32 @!p0 $0x1;
	_ =	shalt  }
.Lfunc_end2:
_tile_overlayer_lowered:
.L_overlay_start_2:
0xd9: {  	(tag) =	ssettag $0x2  }
0xda: {  	s0 =	rddreg [dreg:$0x0];
	s2 =	stileid.u32  }
0xdb: {  	s1 =	rddreg [dreg:$0x1];
	p0 =	sne.s32 s2, $0x0  }
0xdc: {  	s3 =	rddreg [dreg:$0x2];
	[bflag:$0x3] =	sbarrier.arrive $0xFFFF;
	s2 =	simm.s32 @!p0 $0x1C0D  }
0xdd: {  	[timem:s3], [sflag:s2] =	dma.local @!p0 [hbm:s0], s1  }
0xde: {  	s0 =	simm.s32 @!p0 $0xD  }
0xdf: {  	_ =	swait.ge @!p0 [sflag:s0], s1  }
0xe0: {  	s1 =	ssub.s32 @!p0 $0x0, s1;
	[sflag:s0] =	ssyncset.done @!p0 $0x0  }
0xe1: {  	[sflag:s0] =	ssyncadd.s32 @!p0 s1  }
0xe2: {  	[bflag:$0x3] =	sbarrier.arrive $0xFFFF  }
0xe3: {  	_ =	shalt  }

</sc_bundles>
